<compile_context>
chip_gen: v7x
topology: tpu7x:2x2x1
jax: 0.10.2.dev20260603
libtpu: 0.0.44.dev20260713+nightly
codegen_flags: <defaults>
</compile_context>

<pallas_src>
import functools

import jax
import jax.numpy as jnp
from jax import lax
from jax.experimental import pallas as pl
from jax.experimental.pallas import tpu as pltpu
from jax.experimental.pallas import tpu_sc as plsc

B = 8
NB = 96
H = 224
W = 224
S = H * W
N = B * S

R = 1
CHUNK = R * W
G = N // CHUNK
NW = 32
GPW = G // NW
CPB = S // CHUNK
NVEC = CHUNK // 16

_mesh = plsc.VectorSubcoreMesh(core_axis_name="c", subcore_axis_name="s")


@functools.partial(
    pl.kernel,
    mesh=_mesh,
    out_type=jax.ShapeDtypeStruct((B, NB, H, W), jnp.float32),
    scratch_types=[
        pltpu.VMEM((GPW * CHUNK,), jnp.int32),
        pltpu.VMEM((NB, CHUNK), jnp.float32),
        pltpu.VMEM((NB, CHUNK), jnp.float32),
        pltpu.SemaphoreType.DMA,
        pltpu.SemaphoreType.DMA,
        pltpu.SemaphoreType.DMA,
    ],
    compiler_params=pltpu.CompilerParams(
        use_tc_tiling_on_sc=False, needs_layout_passes=False
    ),
)
def _sc_onehot(x_hbm, out_hbm, lbl_v, buf0, buf1, lsem, sem0, sem1):
    wid = lax.axis_index("s") * 2 + lax.axis_index("c")
    g0 = wid * GPW

    zeros = jnp.zeros((16,), jnp.float32)
    ones = jnp.ones((16,), jnp.float32)
    col_iota = lax.broadcasted_iota(jnp.int32, (16,), 0)

    pltpu.async_copy(
        x_hbm.at[pl.ds(g0 * CHUNK, GPW * CHUNK)], lbl_v, lsem
    ).wait()

    def _zero(c, _):
        for buf in (buf0, buf1):
            for j in range(CHUNK // 16):
                buf[c, pl.ds(j * 16, 16)] = zeros
        return 0

    lax.fori_loop(0, NB, _zero, 0)

    def _scatter(buf, q, val):
        for j in range(CHUNK // 16):
            off = q * CHUNK + j * 16
            lblv = lbl_v[pl.ds(off, 16)]
            plsc.store_scatter(buf, [lblv, j * 16 + col_iota], val)

    def _dmas(buf, q, sem):
        g = g0 + q
        b = g // CPB
        h0 = g % CPB
        return [
            pltpu.make_async_copy(buf, out_hbm.at[b, :, h0, :], sem)
        ]

    def _step(pair, _):
        for p, buf, sem in ((0, buf0, sem0), (1, buf1, sem1)):
            q = pair * 2 + p

            @pl.when(pair > 0)
            def _wait():
                for d in _dmas(buf, q - 2, sem):
                    d.wait()
                _scatter(buf, q - 2, zeros)

            _scatter(buf, q, ones)
            for d in _dmas(buf, q, sem):
                d.start()
        return 0

    lax.fori_loop(0, GPW // 2, _step, 0)

    for d in _dmas(buf0, GPW - 2, sem0):
        d.wait()
    for d in _dmas(buf1, GPW - 1, sem1):
        d.wait()


def kernel(x):
    return _sc_onehot(jnp.reshape(x, (N,)))

# --- scband reference (transcript-rebuilt; emitter-appended) ---
"""Pipeline reference for scband-label-to-one-hot-45844480918192 (READ-ONLY COPY).

The authoritative reference and input builder live on the scoring server;
editing this copy changes nothing except your own understanding.
"""

import jax, jax.numpy as jnp
import numpy as np

NB_CLASSES = 96

def setup_inputs(seed: int = 0) -> dict:
    key = jax.random.key(seed)
    # labels in [0, NB_CLASSES), shape (B, 1, H, W)
    x = jax.random.randint(key, (8, 1, 224, 224), 0, NB_CLASSES)
    return {"x": x}


def reference(x):
    # utils.one_hot(x, dim=1, implicit=False, max_label=nb_classes-1):
    # inserts the class axis at dim=1 -> (B, C, 1, H, W)
    oh = jax.nn.one_hot(x, NB_CLASSES, axis=1, dtype=jnp.float32)
    # .squeeze(2) removes the original singleton label channel -> (B, C, H, W)
    out = jnp.squeeze(oh, axis=2)
    return out

if __name__ == "__main__":
    import jax
    _d = setup_inputs()
    print(jax.jit(kernel)(*tuple(_d.values())))

</pallas_src>

<mosaic_0001>
#map = affine_map<(d0, d1) -> (0)>
#map1 = affine_map<(d0, d1) -> (0, 0, 0, 0)>
module attributes {stable_mosaic.version = 14 : i64} {
  func.func @_sc_onehot(%arg0: i32, %arg1: i32, %arg2: memref<401408xi32, #tpu.memory_space<hbm>>, %arg3: memref<8x96x224x224xf32, #tpu.memory_space<hbm>>, %arg4: memref<12544xi32, #tpu.memory_space<vmem>>, %arg5: memref<96x224xf32, #tpu.memory_space<vmem>>, %arg6: memref<96x224xf32, #tpu.memory_space<vmem>>, %arg7: memref<!tpu.dma_semaphore, #tpu.memory_space<semaphore_mem>>, %arg8: memref<!tpu.dma_semaphore, #tpu.memory_space<semaphore_mem>>, %arg9: memref<!tpu.dma_semaphore, #tpu.memory_space<semaphore_mem>>) attributes {dimension_semantics = [#tpu.dimension_semantics<core_parallel>, #tpu.dimension_semantics<subcore_parallel>], iteration_bounds = array<i64: 2, 16>, scalar_prefetch = 0 : i64, scratch_operands = 6 : i64, tpu.core_type = #tpu.core_type<sc_vector_subcore>, window_params = [{transform_indices = #map}, {transform_indices = #map1}]} {
    %mul3A = arith.constant 2 : i32
    %mul3A_0 = arith.muli %arg1, %mul3A : i32
    %add3A = arith.addi %mul3A_0, %arg0 : i32
    %mul3A_1 = arith.constant 56 : i32
    %mul3A_2 = arith.muli %add3A, %mul3A_1 : i32
    %broadcast_in_dim3A = arith.constant 0.000000e+00 : f32
    %broadcast_in_dim3A_3 = vector.broadcast %broadcast_in_dim3A : f32 to vector<16xf32>
    %broadcast_in_dim3A_4 = arith.constant 1.000000e+00 : f32
    %broadcast_in_dim3A_5 = vector.broadcast %broadcast_in_dim3A_4 : f32 to vector<16xf32>
    %iota3A = tpu.iota {dimensions = array<i32: 0>} : vector<16xi32>
    %mul3A_6 = arith.constant 224 : i32
    %mul3A_7 = arith.muli %mul3A_2, %mul3A_6 : i32
    %dma_start3A = tpu.memref_slice %arg2[%mul3A_7] : memref<401408xi32, #tpu.memory_space<hbm>> -> memref<12544xi32, #tpu.memory_space<hbm>>
    %dma_start3A_8 = tpu.memref_slice %arg2[%mul3A_7] : memref<401408xi32, #tpu.memory_space<hbm>> -> memref<12544xi32, #tpu.memory_space<hbm>>
    tpu.enqueue_dma source(%dma_start3A_8 : memref<12544xi32, #tpu.memory_space<hbm>>) target(%arg4 : memref<12544xi32, #tpu.memory_space<vmem>>) target_semaphore(%arg7 : memref<!tpu.dma_semaphore, #tpu.memory_space<semaphore_mem>>)
    %dma_wait3A = tpu.memref_slice %arg2[%mul3A_7] : memref<401408xi32, #tpu.memory_space<hbm>> -> memref<12544xi32, #tpu.memory_space<hbm>>
    %dma_wait3A_9 = tpu.memref_slice %arg2[%mul3A_7] : memref<401408xi32, #tpu.memory_space<hbm>> -> memref<12544xi32, #tpu.memory_space<hbm>>
    tpu.wait_dma2 semaphore(%arg7 : memref<!tpu.dma_semaphore, #tpu.memory_space<semaphore_mem>>) src(%dma_wait3A_9 : memref<12544xi32, #tpu.memory_space<hbm>>) dst(%arg4 : memref<12544xi32, #tpu.memory_space<vmem>>)
    %scan3A = arith.constant 0 : i32
    %scan3A_10 = arith.constant 0 : i32
    %scan3A_11 = arith.constant 96 : i32
    %scan3A_12 = arith.addi %scan3A_10, %scan3A_11 : i32
    %scan3A_13 = arith.constant 1 : i32
    %scan3A_14 = scf.for %scan3A_113 = %scan3A_10 to %scan3A_12 step %scan3A_13 iter_args(%scan3A_114 = %scan3A) -> (i32)  : i32 {
      %swap3A = arith.index_cast %scan3A_113 : i32 to index
      %swap3A_115 = arith.constant 0 : index
      %swap3A_116 = tpu.vector_load %arg5[%swap3A, %swap3A_115] {strides = array<i32>} : memref<96x224xf32, #tpu.memory_space<vmem>>, vector<16xf32>,
      tpu.vector_store %arg5[%swap3A, %swap3A_115], %broadcast_in_dim3A_3 {strides = array<i32>} : memref<96x224xf32, #tpu.memory_space<vmem>>, vector<16xf32>,
      %swap3A_117 = arith.index_cast %scan3A_113 : i32 to index
      %swap3A_118 = arith.constant 16 : index
      %swap3A_119 = tpu.vector_load %arg5[%swap3A_117, %swap3A_118] {strides = array<i32>} : memref<96x224xf32, #tpu.memory_space<vmem>>, vector<16xf32>,
      tpu.vector_store %arg5[%swap3A_117, %swap3A_118], %broadcast_in_dim3A_3 {strides = array<i32>} : memref<96x224xf32, #tpu.memory_space<vmem>>, vector<16xf32>,
      %swap3A_120 = arith.index_cast %scan3A_113 : i32 to index
      %swap3A_121 = arith.constant 32 : index
      %swap3A_122 = tpu.vector_load %arg5[%swap3A_120, %swap3A_121] {strides = array<i32>} : memref<96x224xf32, #tpu.memory_space<vmem>>, vector<16xf32>,
      tpu.vector_store %arg5[%swap3A_120, %swap3A_121], %broadcast_in_dim3A_3 {strides = array<i32>} : memref<96x224xf32, #tpu.memory_space<vmem>>, vector<16xf32>,
      %swap3A_123 = arith.index_cast %scan3A_113 : i32 to index
      %swap3A_124 = arith.constant 48 : index
      %swap3A_125 = tpu.vector_load %arg5[%swap3A_123, %swap3A_124] {strides = array<i32>} : memref<96x224xf32, #tpu.memory_space<vmem>>, vector<16xf32>,
      tpu.vector_store %arg5[%swap3A_123, %swap3A_124], %broadcast_in_dim3A_3 {strides = array<i32>} : memref<96x224xf32, #tpu.memory_space<vmem>>, vector<16xf32>,
      %swap3A_126 = arith.index_cast %scan3A_113 : i32 to index
      %swap3A_127 = arith.constant 64 : index
      %swap3A_128 = tpu.vector_load %arg5[%swap3A_126, %swap3A_127] {strides = array<i32>} : memref<96x224xf32, #tpu.memory_space<vmem>>, vector<16xf32>,
      tpu.vector_store %arg5[%swap3A_126, %swap3A_127], %broadcast_in_dim3A_3 {strides = array<i32>} : memref<96x224xf32, #tpu.memory_space<vmem>>, vector<16xf32>,
      %swap3A_129 = arith.index_cast %scan3A_113 : i32 to index
      %swap3A_130 = arith.constant 80 : index
      %swap3A_131 = tpu.vector_load %arg5[%swap3A_129, %swap3A_130] {strides = array<i32>} : memref<96x224xf32, #tpu.memory_space<vmem>>, vector<16xf32>,
      tpu.vector_store %arg5[%swap3A_129, %swap3A_130], %broadcast_in_dim3A_3 {strides = array<i32>} : memref<96x224xf32, #tpu.memory_space<vmem>>, vector<16xf32>,
      %swap3A_132 = arith.index_cast %scan3A_113 : i32 to index
      %swap3A_133 = arith.constant 96 : index
      %swap3A_134 = tpu.vector_load %arg5[%swap3A_132, %swap3A_133] {strides = array<i32>} : memref<96x224xf32, #tpu.memory_space<vmem>>, vector<16xf32>,
      tpu.vector_store %arg5[%swap3A_132, %swap3A_133], %broadcast_in_dim3A_3 {strides = array<i32>} : memref<96x224xf32, #tpu.memory_space<vmem>>, vector<16xf32>,
      %swap3A_135 = arith.index_cast %scan3A_113 : i32 to index
      %swap3A_136 = arith.constant 112 : index
      %swap3A_137 = tpu.vector_load %arg5[%swap3A_135, %swap3A_136] {strides = array<i32>} : memref<96x224xf32, #tpu.memory_space<vmem>>, vector<16xf32>,
      tpu.vector_store %arg5[%swap3A_135, %swap3A_136], %broadcast_in_dim3A_3 {strides = array<i32>} : memref<96x224xf32, #tpu.memory_space<vmem>>, vector<16xf32>,
      %swap3A_138 = arith.index_cast %scan3A_113 : i32 to index
      %swap3A_139 = arith.constant 128 : index
      %swap3A_140 = tpu.vector_load %arg5[%swap3A_138, %swap3A_139] {strides = array<i32>} : memref<96x224xf32, #tpu.memory_space<vmem>>, vector<16xf32>,
      tpu.vector_store %arg5[%swap3A_138, %swap3A_139], %broadcast_in_dim3A_3 {strides = array<i32>} : memref<96x224xf32, #tpu.memory_space<vmem>>, vector<16xf32>,
      %swap3A_141 = arith.index_cast %scan3A_113 : i32 to index
      %swap3A_142 = arith.constant 144 : index
      %swap3A_143 = tpu.vector_load %arg5[%swap3A_141, %swap3A_142] {strides = array<i32>} : memref<96x224xf32, #tpu.memory_space<vmem>>, vector<16xf32>,
      tpu.vector_store %arg5[%swap3A_141, %swap3A_142], %broadcast_in_dim3A_3 {strides = array<i32>} : memref<96x224xf32, #tpu.memory_space<vmem>>, vector<16xf32>,
      %swap3A_144 = arith.index_cast %scan3A_113 : i32 to index
      %swap3A_145 = arith.constant 160 : index
      %swap3A_146 = tpu.vector_load %arg5[%swap3A_144, %swap3A_145] {strides = array<i32>} : memref<96x224xf32, #tpu.memory_space<vmem>>, vector<16xf32>,
      tpu.vector_store %arg5[%swap3A_144, %swap3A_145], %broadcast_in_dim3A_3 {strides = array<i32>} : memref<96x224xf32, #tpu.memory_space<vmem>>, vector<16xf32>,
      %swap3A_147 = arith.index_cast %scan3A_113 : i32 to index
      %swap3A_148 = arith.constant 176 : index
      %swap3A_149 = tpu.vector_load %arg5[%swap3A_147, %swap3A_148] {strides = array<i32>} : memref<96x224xf32, #tpu.memory_space<vmem>>, vector<16xf32>,
      tpu.vector_store %arg5[%swap3A_147, %swap3A_148], %broadcast_in_dim3A_3 {strides = array<i32>} : memref<96x224xf32, #tpu.memory_space<vmem>>, vector<16xf32>,
      %swap3A_150 = arith.index_cast %scan3A_113 : i32 to index
      %swap3A_151 = arith.constant 192 : index
      %swap3A_152 = tpu.vector_load %arg5[%swap3A_150, %swap3A_151] {strides = array<i32>} : memref<96x224xf32, #tpu.memory_space<vmem>>, vector<16xf32>,
      tpu.vector_store %arg5[%swap3A_150, %swap3A_151], %broadcast_in_dim3A_3 {strides = array<i32>} : memref<96x224xf32, #tpu.memory_space<vmem>>, vector<16xf32>,
      %swap3A_153 = arith.index_cast %scan3A_113 : i32 to index
      %swap3A_154 = arith.constant 208 : index
      %swap3A_155 = tpu.vector_load %arg5[%swap3A_153, %swap3A_154] {strides = array<i32>} : memref<96x224xf32, #tpu.memory_space<vmem>>, vector<16xf32>,
      tpu.vector_store %arg5[%swap3A_153, %swap3A_154], %broadcast_in_dim3A_3 {strides = array<i32>} : memref<96x224xf32, #tpu.memory_space<vmem>>, vector<16xf32>,
      %swap3A_156 = arith.index_cast %scan3A_113 : i32 to index
      %swap3A_157 = arith.constant 0 : index
      %swap3A_158 = tpu.vector_load %arg6[%swap3A_156, %swap3A_157] {strides = array<i32>} : memref<96x224xf32, #tpu.memory_space<vmem>>, vector<16xf32>,
      tpu.vector_store %arg6[%swap3A_156, %swap3A_157], %broadcast_in_dim3A_3 {strides = array<i32>} : memref<96x224xf32, #tpu.memory_space<vmem>>, vector<16xf32>,
      %swap3A_159 = arith.index_cast %scan3A_113 : i32 to index
      %swap3A_160 = arith.constant 16 : index
      %swap3A_161 = tpu.vector_load %arg6[%swap3A_159, %swap3A_160] {strides = array<i32>} : memref<96x224xf32, #tpu.memory_space<vmem>>, vector<16xf32>,
      tpu.vector_store %arg6[%swap3A_159, %swap3A_160], %broadcast_in_dim3A_3 {strides = array<i32>} : memref<96x224xf32, #tpu.memory_space<vmem>>, vector<16xf32>,
      %swap3A_162 = arith.index_cast %scan3A_113 : i32 to index
      %swap3A_163 = arith.constant 32 : index
      %swap3A_164 = tpu.vector_load %arg6[%swap3A_162, %swap3A_163] {strides = array<i32>} : memref<96x224xf32, #tpu.memory_space<vmem>>, vector<16xf32>,
      tpu.vector_store %arg6[%swap3A_162, %swap3A_163], %broadcast_in_dim3A_3 {strides = array<i32>} : memref<96x224xf32, #tpu.memory_space<vmem>>, vector<16xf32>,
      %swap3A_165 = arith.index_cast %scan3A_113 : i32 to index
      %swap3A_166 = arith.constant 48 : index
      %swap3A_167 = tpu.vector_load %arg6[%swap3A_165, %swap3A_166] {strides = array<i32>} : memref<96x224xf32, #tpu.memory_space<vmem>>, vector<16xf32>,
      tpu.vector_store %arg6[%swap3A_165, %swap3A_166], %broadcast_in_dim3A_3 {strides = array<i32>} : memref<96x224xf32, #tpu.memory_space<vmem>>, vector<16xf32>,
      %swap3A_168 = arith.index_cast %scan3A_113 : i32 to index
      %swap3A_169 = arith.constant 64 : index
      %swap3A_170 = tpu.vector_load %arg6[%swap3A_168, %swap3A_169] {strides = array<i32>} : memref<96x224xf32, #tpu.memory_space<vmem>>, vector<16xf32>,
      tpu.vector_store %arg6[%swap3A_168, %swap3A_169], %broadcast_in_dim3A_3 {strides = array<i32>} : memref<96x224xf32, #tpu.memory_space<vmem>>, vector<16xf32>,
      %swap3A_171 = arith.index_cast %scan3A_113 : i32 to index
      %swap3A_172 = arith.constant 80 : index
      %swap3A_173 = tpu.vector_load %arg6[%swap3A_171, %swap3A_172] {strides = array<i32>} : memref<96x224xf32, #tpu.memory_space<vmem>>, vector<16xf32>,
      tpu.vector_store %arg6[%swap3A_171, %swap3A_172], %broadcast_in_dim3A_3 {strides = array<i32>} : memref<96x224xf32, #tpu.memory_space<vmem>>, vector<16xf32>,
      %swap3A_174 = arith.index_cast %scan3A_113 : i32 to index
      %swap3A_175 = arith.constant 96 : index
      %swap3A_176 = tpu.vector_load %arg6[%swap3A_174, %swap3A_175] {strides = array<i32>} : memref<96x224xf32, #tpu.memory_space<vmem>>, vector<16xf32>,
      tpu.vector_store %arg6[%swap3A_174, %swap3A_175], %broadcast_in_dim3A_3 {strides = array<i32>} : memref<96x224xf32, #tpu.memory_space<vmem>>, vector<16xf32>,
      %swap3A_177 = arith.index_cast %scan3A_113 : i32 to index
      %swap3A_178 = arith.constant 112 : index
      %swap3A_179 = tpu.vector_load %arg6[%swap3A_177, %swap3A_178] {strides = array<i32>} : memref<96x224xf32, #tpu.memory_space<vmem>>, vector<16xf32>,
      tpu.vector_store %arg6[%swap3A_177, %swap3A_178], %broadcast_in_dim3A_3 {strides = array<i32>} : memref<96x224xf32, #tpu.memory_space<vmem>>, vector<16xf32>,
      %swap3A_180 = arith.index_cast %scan3A_113 : i32 to index
      %swap3A_181 = arith.constant 128 : index
      %swap3A_182 = tpu.vector_load %arg6[%swap3A_180, %swap3A_181] {strides = array<i32>} : memref<96x224xf32, #tpu.memory_space<vmem>>, vector<16xf32>,
      tpu.vector_store %arg6[%swap3A_180, %swap3A_181], %broadcast_in_dim3A_3 {strides = array<i32>} : memref<96x224xf32, #tpu.memory_space<vmem>>, vector<16xf32>,
      %swap3A_183 = arith.index_cast %scan3A_113 : i32 to index
      %swap3A_184 = arith.constant 144 : index
      %swap3A_185 = tpu.vector_load %arg6[%swap3A_183, %swap3A_184] {strides = array<i32>} : memref<96x224xf32, #tpu.memory_space<vmem>>, vector<16xf32>,
      tpu.vector_store %arg6[%swap3A_183, %swap3A_184], %broadcast_in_dim3A_3 {strides = array<i32>} : memref<96x224xf32, #tpu.memory_space<vmem>>, vector<16xf32>,
      %swap3A_186 = arith.index_cast %scan3A_113 : i32 to index
      %swap3A_187 = arith.constant 160 : index
      %swap3A_188 = tpu.vector_load %arg6[%swap3A_186, %swap3A_187] {strides = array<i32>} : memref<96x224xf32, #tpu.memory_space<vmem>>, vector<16xf32>,
      tpu.vector_store %arg6[%swap3A_186, %swap3A_187], %broadcast_in_dim3A_3 {strides = array<i32>} : memref<96x224xf32, #tpu.memory_space<vmem>>, vector<16xf32>,
      %swap3A_189 = arith.index_cast %scan3A_113 : i32 to index
      %swap3A_190 = arith.constant 176 : index
      %swap3A_191 = tpu.vector_load %arg6[%swap3A_189, %swap3A_190] {strides = array<i32>} : memref<96x224xf32, #tpu.memory_space<vmem>>, vector<16xf32>,
      tpu.vector_store %arg6[%swap3A_189, %swap3A_190], %broadcast_in_dim3A_3 {strides = array<i32>} : memref<96x224xf32, #tpu.memory_space<vmem>>, vector<16xf32>,
      %swap3A_192 = arith.index_cast %scan3A_113 : i32 to index
      %swap3A_193 = arith.constant 192 : index
      %swap3A_194 = tpu.vector_load %arg6[%swap3A_192, %swap3A_193] {strides = array<i32>} : memref<96x224xf32, #tpu.memory_space<vmem>>, vector<16xf32>,
      tpu.vector_store %arg6[%swap3A_192, %swap3A_193], %broadcast_in_dim3A_3 {strides = array<i32>} : memref<96x224xf32, #tpu.memory_space<vmem>>, vector<16xf32>,
      %swap3A_195 = arith.index_cast %scan3A_113 : i32 to index
      %swap3A_196 = arith.constant 208 : index
      %swap3A_197 = tpu.vector_load %arg6[%swap3A_195, %swap3A_196] {strides = array<i32>} : memref<96x224xf32, #tpu.memory_space<vmem>>, vector<16xf32>,
      tpu.vector_store %arg6[%swap3A_195, %swap3A_196], %broadcast_in_dim3A_3 {strides = array<i32>} : memref<96x224xf32, #tpu.memory_space<vmem>>, vector<16xf32>,
      %scan3A_198 = arith.constant 0 : i32
      scf.yield %scan3A_198 : i32
    }
    %scan3A_15 = arith.constant 96 : i32
    %scan3A_16 = arith.constant 0 : i32
    %scan3A_17 = arith.constant 0 : i32
    %scan3A_18 = arith.constant 28 : i32
    %scan3A_19 = arith.addi %scan3A_17, %scan3A_18 : i32
    %scan3A_20 = arith.constant 1 : i32
    %scan3A_21 = scf.for %scan3A_113 = %scan3A_17 to %scan3A_19 step %scan3A_20 iter_args(%scan3A_114 = %scan3A_16) -> (i32)  : i32 {
      %mul3A_115 = arith.constant 2 : i32
      %mul3A_116 = arith.muli %scan3A_113, %mul3A_115 : i32
      %add3A_117 = arith.constant 0 : i32
      %add3A_118 = arith.addi %mul3A_116, %add3A_117 : i32
      %gt3A = arith.constant 0 : i32
      %gt3A_119 = arith.cmpi sgt, %scan3A_113, %gt3A : i32
      %convert_element_type3A = arith.extui %gt3A_119 : i1 to i32
      %cond3A = arith.constant 0 : i32
      %cond3A_120 = arith.cmpi ne, %convert_element_type3A, %cond3A : i32
      scf.if %cond3A_120 {
        %sub3A_480 = arith.constant 2 : i32
        %sub3A_481 = arith.subi %add3A_118, %sub3A_480 : i32
        %add3A_482 = arith.addi %mul3A_2, %sub3A_481 : i32
        %jit3A_483 = arith.constant 224 : i32
        %div3A_484 = arith.divsi %add3A_482, %jit3A_483 : i32
        %sign3A_485 = arith.constant 0 : i32
        %sign3A_486 = arith.cmpi sgt, %add3A_482, %sign3A_485 : i32
        %sign3A_487 = arith.extui %sign3A_486 : i1 to i32
        %sign3A_488 = arith.constant 0 : i32
        %sign3A_489 = arith.cmpi slt, %add3A_482, %sign3A_488 : i32
        %sign3A_490 = arith.extui %sign3A_489 : i1 to i32
        %sign3A_491 = arith.subi %sign3A_487, %sign3A_490 : i32
        %sign3A_492 = arith.constant 0 : i32
        %sign3A_493 = arith.cmpi sgt, %jit3A_483, %sign3A_492 : i32
        %sign3A_494 = arith.extui %sign3A_493 : i1 to i32
        %sign3A_495 = arith.constant 0 : i32
        %sign3A_496 = arith.cmpi slt, %jit3A_483, %sign3A_495 : i32
        %sign3A_497 = arith.extui %sign3A_496 : i1 to i32
        %sign3A_498 = arith.subi %sign3A_494, %sign3A_497 : i32
        %ne3A_499 = arith.cmpi ne, %sign3A_491, %sign3A_498 : i32
        %rem3A_500 = arith.remsi %add3A_482, %jit3A_483 : i32
        %ne3A_501 = arith.constant 0 : i32
        %ne3A_502 = arith.cmpi ne, %rem3A_500, %ne3A_501 : i32
        %and3A_503 = arith.andi %ne3A_499, %ne3A_502 : i1
        %sub3A_504 = arith.constant 1 : i32
        %sub3A_505 = arith.subi %div3A_484, %sub3A_504 : i32
        %select_n3A_506 = arith.select %and3A_503, %sub3A_505, %div3A_484 : i32
        %jit3A_507 = arith.constant 224 : i32
        %eq3A_508 = arith.constant 0 : i32
        %eq3A_509 = arith.cmpi eq, %jit3A_507, %eq3A_508 : i32
        %jit3A_510 = arith.constant 1 : i32
        %select_n3A_511 = arith.select %eq3A_509, %jit3A_510, %jit3A_507 : i32
        %rem3A_512 = arith.remsi %add3A_482, %select_n3A_511 : i32
        %ne3A_513 = arith.constant 0 : i32
        %ne3A_514 = arith.cmpi ne, %rem3A_512, %ne3A_513 : i32
        %lt3A_515 = arith.constant 0 : i32
        %lt3A_516 = arith.cmpi slt, %rem3A_512, %lt3A_515 : i32
        %lt3A_517 = arith.constant 0 : i32
        %lt3A_518 = arith.cmpi slt, %select_n3A_511, %lt3A_517 : i32
        %ne3A_519 = arith.xori %lt3A_516, %lt3A_518 : i1
        %and3A_520 = arith.andi %ne3A_519, %ne3A_514 : i1
        %add3A_521 = arith.addi %rem3A_512, %select_n3A_511 : i32
        %select_n3A_522 = arith.select %and3A_520, %add3A_521, %rem3A_512 : i32
        %dma_wait3A_523 = arith.constant 0 : i32
        %dma_wait3A_524 = arith.constant 0 : i32
        %dma_wait3A_525 = tpu.memref_slice %arg3[%select_n3A_506, %dma_wait3A_523, %select_n3A_522, %dma_wait3A_524] : memref<8x96x224x224xf32, #tpu.memory_space<hbm>> -> memref<1x96x1x224xf32, #tpu.memory_space<hbm>>
        %dma_wait3A_526 = tpu.memref_squeeze %dma_wait3A_525 : memref<1x96x1x224xf32, #tpu.memory_space<hbm>> -> memref<96x224xf32, #tpu.memory_space<hbm>>
        %dma_wait3A_527 = arith.constant 0 : i32
        %dma_wait3A_528 = arith.constant 0 : i32
        %dma_wait3A_529 = tpu.memref_slice %arg3[%select_n3A_506, %dma_wait3A_527, %select_n3A_522, %dma_wait3A_528] : memref<8x96x224x224xf32, #tpu.memory_space<hbm>> -> memref<1x96x1x224xf32, #tpu.memory_space<hbm>>
        %dma_wait3A_530 = tpu.memref_squeeze %dma_wait3A_529 : memref<1x96x1x224xf32, #tpu.memory_space<hbm>> -> memref<96x224xf32, #tpu.memory_space<hbm>>
        tpu.wait_dma2 semaphore(%arg8 : memref<!tpu.dma_semaphore, #tpu.memory_space<semaphore_mem>>) src(%arg5 : memref<96x224xf32, #tpu.memory_space<vmem>>) dst(%dma_wait3A_530 : memref<96x224xf32, #tpu.memory_space<hbm>>)
        %sub3A_531 = arith.constant 2 : i32
        %sub3A_532 = arith.subi %add3A_118, %sub3A_531 : i32
        %mul3A_533 = arith.constant 224 : i32
        %mul3A_534 = arith.muli %sub3A_532, %mul3A_533 : i32
        %add3A_535 = arith.constant 0 : i32
        %add3A_536 = arith.addi %mul3A_534, %add3A_535 : i32
        %get3A_537 = arith.index_cast %add3A_536 : i32 to index
        %get3A_538 = tpu.vector_load %arg4[%get3A_537] {strides = array<i32>} : memref<12544xi32, #tpu.memory_space<vmem>>, vector<16xi32>,
        %add3A_539 = arith.constant 0 : i32
        %add3A_540 = vector.broadcast %add3A_539 : i32 to vector<16xi32>
        %add3A_541 = arith.addi %add3A_540, %iota3A : vector<16xi32>
        tpu.vector_store_idx %arg5[%get3A_538, %add3A_541], %broadcast_in_dim3A_3 : memref<96x224xf32, #tpu.memory_space<vmem>>[vector<16xi32>, vector<16xi32>], vector<16xf32>,
        %mul3A_542 = arith.constant 224 : i32
        %mul3A_543 = arith.muli %sub3A_532, %mul3A_542 : i32
        %add3A_544 = arith.constant 16 : i32
        %add3A_545 = arith.addi %mul3A_543, %add3A_544 : i32
        %get3A_546 = arith.index_cast %add3A_545 : i32 to index
        %get3A_547 = tpu.vector_load %arg4[%get3A_546] {strides = array<i32>} : memref<12544xi32, #tpu.memory_space<vmem>>, vector<16xi32>,
        %add3A_548 = arith.constant 16 : i32
        %add3A_549 = vector.broadcast %add3A_548 : i32 to vector<16xi32>
        %add3A_550 = arith.addi %add3A_549, %iota3A : vector<16xi32>
        tpu.vector_store_idx %arg5[%get3A_547, %add3A_550], %broadcast_in_dim3A_3 : memref<96x224xf32, #tpu.memory_space<vmem>>[vector<16xi32>, vector<16xi32>], vector<16xf32>,
        %mul3A_551 = arith.constant 224 : i32
        %mul3A_552 = arith.muli %sub3A_532, %mul3A_551 : i32
        %add3A_553 = arith.constant 32 : i32
        %add3A_554 = arith.addi %mul3A_552, %add3A_553 : i32
        %get3A_555 = arith.index_cast %add3A_554 : i32 to index
        %get3A_556 = tpu.vector_load %arg4[%get3A_555] {strides = array<i32>} : memref<12544xi32, #tpu.memory_space<vmem>>, vector<16xi32>,
        %add3A_557 = arith.constant 32 : i32
        %add3A_558 = vector.broadcast %add3A_557 : i32 to vector<16xi32>
        %add3A_559 = arith.addi %add3A_558, %iota3A : vector<16xi32>
        tpu.vector_store_idx %arg5[%get3A_556, %add3A_559], %broadcast_in_dim3A_3 : memref<96x224xf32, #tpu.memory_space<vmem>>[vector<16xi32>, vector<16xi32>], vector<16xf32>,
        %mul3A_560 = arith.constant 224 : i32
        %mul3A_561 = arith.muli %sub3A_532, %mul3A_560 : i32
        %add3A_562 = arith.constant 48 : i32
        %add3A_563 = arith.addi %mul3A_561, %add3A_562 : i32
        %get3A_564 = arith.index_cast %add3A_563 : i32 to index
        %get3A_565 = tpu.vector_load %arg4[%get3A_564] {strides = array<i32>} : memref<12544xi32, #tpu.memory_space<vmem>>, vector<16xi32>,
        %add3A_566 = arith.constant 48 : i32
        %add3A_567 = vector.broadcast %add3A_566 : i32 to vector<16xi32>
        %add3A_568 = arith.addi %add3A_567, %iota3A : vector<16xi32>
        tpu.vector_store_idx %arg5[%get3A_565, %add3A_568], %broadcast_in_dim3A_3 : memref<96x224xf32, #tpu.memory_space<vmem>>[vector<16xi32>, vector<16xi32>], vector<16xf32>,
        %mul3A_569 = arith.constant 224 : i32
        %mul3A_570 = arith.muli %sub3A_532, %mul3A_569 : i32
        %add3A_571 = arith.constant 64 : i32
        %add3A_572 = arith.addi %mul3A_570, %add3A_571 : i32
        %get3A_573 = arith.index_cast %add3A_572 : i32 to index
        %get3A_574 = tpu.vector_load %arg4[%get3A_573] {strides = array<i32>} : memref<12544xi32, #tpu.memory_space<vmem>>, vector<16xi32>,
        %add3A_575 = arith.constant 64 : i32
        %add3A_576 = vector.broadcast %add3A_575 : i32 to vector<16xi32>
        %add3A_577 = arith.addi %add3A_576, %iota3A : vector<16xi32>
        tpu.vector_store_idx %arg5[%get3A_574, %add3A_577], %broadcast_in_dim3A_3 : memref<96x224xf32, #tpu.memory_space<vmem>>[vector<16xi32>, vector<16xi32>], vector<16xf32>,
        %mul3A_578 = arith.constant 224 : i32
        %mul3A_579 = arith.muli %sub3A_532, %mul3A_578 : i32
        %add3A_580 = arith.constant 80 : i32
        %add3A_581 = arith.addi %mul3A_579, %add3A_580 : i32
        %get3A_582 = arith.index_cast %add3A_581 : i32 to index
        %get3A_583 = tpu.vector_load %arg4[%get3A_582] {strides = array<i32>} : memref<12544xi32, #tpu.memory_space<vmem>>, vector<16xi32>,
        %add3A_584 = arith.constant 80 : i32
        %add3A_585 = vector.broadcast %add3A_584 : i32 to vector<16xi32>
        %add3A_586 = arith.addi %add3A_585, %iota3A : vector<16xi32>
        tpu.vector_store_idx %arg5[%get3A_583, %add3A_586], %broadcast_in_dim3A_3 : memref<96x224xf32, #tpu.memory_space<vmem>>[vector<16xi32>, vector<16xi32>], vector<16xf32>,
        %mul3A_587 = arith.constant 224 : i32
        %mul3A_588 = arith.muli %sub3A_532, %mul3A_587 : i32
        %add3A_589 = arith.constant 96 : i32
        %add3A_590 = arith.addi %mul3A_588, %add3A_589 : i32
        %get3A_591 = arith.index_cast %add3A_590 : i32 to index
        %get3A_592 = tpu.vector_load %arg4[%get3A_591] {strides = array<i32>} : memref<12544xi32, #tpu.memory_space<vmem>>, vector<16xi32>,
        %add3A_593 = arith.constant 96 : i32
        %add3A_594 = vector.broadcast %add3A_593 : i32 to vector<16xi32>
        %add3A_595 = arith.addi %add3A_594, %iota3A : vector<16xi32>
        tpu.vector_store_idx %arg5[%get3A_592, %add3A_595], %broadcast_in_dim3A_3 : memref<96x224xf32, #tpu.memory_space<vmem>>[vector<16xi32>, vector<16xi32>], vector<16xf32>,
        %mul3A_596 = arith.constant 224 : i32
        %mul3A_597 = arith.muli %sub3A_532, %mul3A_596 : i32
        %add3A_598 = arith.constant 112 : i32
        %add3A_599 = arith.addi %mul3A_597, %add3A_598 : i32
        %get3A_600 = arith.index_cast %add3A_599 : i32 to index
        %get3A_601 = tpu.vector_load %arg4[%get3A_600] {strides = array<i32>} : memref<12544xi32, #tpu.memory_space<vmem>>, vector<16xi32>,
        %add3A_602 = arith.constant 112 : i32
        %add3A_603 = vector.broadcast %add3A_602 : i32 to vector<16xi32>
        %add3A_604 = arith.addi %add3A_603, %iota3A : vector<16xi32>
        tpu.vector_store_idx %arg5[%get3A_601, %add3A_604], %broadcast_in_dim3A_3 : memref<96x224xf32, #tpu.memory_space<vmem>>[vector<16xi32>, vector<16xi32>], vector<16xf32>,
        %mul3A_605 = arith.constant 224 : i32
        %mul3A_606 = arith.muli %sub3A_532, %mul3A_605 : i32
        %add3A_607 = arith.constant 128 : i32
        %add3A_608 = arith.addi %mul3A_606, %add3A_607 : i32
        %get3A_609 = arith.index_cast %add3A_608 : i32 to index
        %get3A_610 = tpu.vector_load %arg4[%get3A_609] {strides = array<i32>} : memref<12544xi32, #tpu.memory_space<vmem>>, vector<16xi32>,
        %add3A_611 = arith.constant 128 : i32
        %add3A_612 = vector.broadcast %add3A_611 : i32 to vector<16xi32>
        %add3A_613 = arith.addi %add3A_612, %iota3A : vector<16xi32>
        tpu.vector_store_idx %arg5[%get3A_610, %add3A_613], %broadcast_in_dim3A_3 : memref<96x224xf32, #tpu.memory_space<vmem>>[vector<16xi32>, vector<16xi32>], vector<16xf32>,
        %mul3A_614 = arith.constant 224 : i32
        %mul3A_615 = arith.muli %sub3A_532, %mul3A_614 : i32
        %add3A_616 = arith.constant 144 : i32
        %add3A_617 = arith.addi %mul3A_615, %add3A_616 : i32
        %get3A_618 = arith.index_cast %add3A_617 : i32 to index
        %get3A_619 = tpu.vector_load %arg4[%get3A_618] {strides = array<i32>} : memref<12544xi32, #tpu.memory_space<vmem>>, vector<16xi32>,
        %add3A_620 = arith.constant 144 : i32
        %add3A_621 = vector.broadcast %add3A_620 : i32 to vector<16xi32>
        %add3A_622 = arith.addi %add3A_621, %iota3A : vector<16xi32>
        tpu.vector_store_idx %arg5[%get3A_619, %add3A_622], %broadcast_in_dim3A_3 : memref<96x224xf32, #tpu.memory_space<vmem>>[vector<16xi32>, vector<16xi32>], vector<16xf32>,
        %mul3A_623 = arith.constant 224 : i32
        %mul3A_624 = arith.muli %sub3A_532, %mul3A_623 : i32
        %add3A_625 = arith.constant 160 : i32
        %add3A_626 = arith.addi %mul3A_624, %add3A_625 : i32
        %get3A_627 = arith.index_cast %add3A_626 : i32 to index
        %get3A_628 = tpu.vector_load %arg4[%get3A_627] {strides = array<i32>} : memref<12544xi32, #tpu.memory_space<vmem>>, vector<16xi32>,
        %add3A_629 = arith.constant 160 : i32
        %add3A_630 = vector.broadcast %add3A_629 : i32 to vector<16xi32>
        %add3A_631 = arith.addi %add3A_630, %iota3A : vector<16xi32>
        tpu.vector_store_idx %arg5[%get3A_628, %add3A_631], %broadcast_in_dim3A_3 : memref<96x224xf32, #tpu.memory_space<vmem>>[vector<16xi32>, vector<16xi32>], vector<16xf32>,
        %mul3A_632 = arith.constant 224 : i32
        %mul3A_633 = arith.muli %sub3A_532, %mul3A_632 : i32
        %add3A_634 = arith.constant 176 : i32
        %add3A_635 = arith.addi %mul3A_633, %add3A_634 : i32
        %get3A_636 = arith.index_cast %add3A_635 : i32 to index
        %get3A_637 = tpu.vector_load %arg4[%get3A_636] {strides = array<i32>} : memref<12544xi32, #tpu.memory_space<vmem>>, vector<16xi32>,
        %add3A_638 = arith.constant 176 : i32
        %add3A_639 = vector.broadcast %add3A_638 : i32 to vector<16xi32>
        %add3A_640 = arith.addi %add3A_639, %iota3A : vector<16xi32>
        tpu.vector_store_idx %arg5[%get3A_637, %add3A_640], %broadcast_in_dim3A_3 : memref<96x224xf32, #tpu.memory_space<vmem>>[vector<16xi32>, vector<16xi32>], vector<16xf32>,
        %mul3A_641 = arith.constant 224 : i32
        %mul3A_642 = arith.muli %sub3A_532, %mul3A_641 : i32
        %add3A_643 = arith.constant 192 : i32
        %add3A_644 = arith.addi %mul3A_642, %add3A_643 : i32
        %get3A_645 = arith.index_cast %add3A_644 : i32 to index
        %get3A_646 = tpu.vector_load %arg4[%get3A_645] {strides = array<i32>} : memref<12544xi32, #tpu.memory_space<vmem>>, vector<16xi32>,
        %add3A_647 = arith.constant 192 : i32
        %add3A_648 = vector.broadcast %add3A_647 : i32 to vector<16xi32>
        %add3A_649 = arith.addi %add3A_648, %iota3A : vector<16xi32>
        tpu.vector_store_idx %arg5[%get3A_646, %add3A_649], %broadcast_in_dim3A_3 : memref<96x224xf32, #tpu.memory_space<vmem>>[vector<16xi32>, vector<16xi32>], vector<16xf32>,
        %mul3A_650 = arith.constant 224 : i32
        %mul3A_651 = arith.muli %sub3A_532, %mul3A_650 : i32
        %add3A_652 = arith.constant 208 : i32
        %add3A_653 = arith.addi %mul3A_651, %add3A_652 : i32
        %get3A_654 = arith.index_cast %add3A_653 : i32 to index
        %get3A_655 = tpu.vector_load %arg4[%get3A_654] {strides = array<i32>} : memref<12544xi32, #tpu.memory_space<vmem>>, vector<16xi32>,
        %add3A_656 = arith.constant 208 : i32
        %add3A_657 = vector.broadcast %add3A_656 : i32 to vector<16xi32>
        %add3A_658 = arith.addi %add3A_657, %iota3A : vector<16xi32>
        tpu.vector_store_idx %arg5[%get3A_655, %add3A_658], %broadcast_in_dim3A_3 : memref<96x224xf32, #tpu.memory_space<vmem>>[vector<16xi32>, vector<16xi32>], vector<16xf32>,
      } else {
      }
      %mul3A_121 = arith.constant 224 : i32
      %mul3A_122 = arith.muli %add3A_118, %mul3A_121 : i32
      %add3A_123 = arith.constant 0 : i32
      %add3A_124 = arith.addi %mul3A_122, %add3A_123 : i32
      %get3A = arith.index_cast %add3A_124 : i32 to index
      %get3A_125 = tpu.vector_load %arg4[%get3A] {strides = array<i32>} : memref<12544xi32, #tpu.memory_space<vmem>>, vector<16xi32>,
      %add3A_126 = arith.constant 0 : i32
      %add3A_127 = vector.broadcast %add3A_126 : i32 to vector<16xi32>
      %add3A_128 = arith.addi %add3A_127, %iota3A : vector<16xi32>
      tpu.vector_store_idx %arg5[%get3A_125, %add3A_128], %broadcast_in_dim3A_5 : memref<96x224xf32, #tpu.memory_space<vmem>>[vector<16xi32>, vector<16xi32>], vector<16xf32>,
      %mul3A_129 = arith.constant 224 : i32
      %mul3A_130 = arith.muli %add3A_118, %mul3A_129 : i32
      %add3A_131 = arith.constant 16 : i32
      %add3A_132 = arith.addi %mul3A_130, %add3A_131 : i32
      %get3A_133 = arith.index_cast %add3A_132 : i32 to index
      %get3A_134 = tpu.vector_load %arg4[%get3A_133] {strides = array<i32>} : memref<12544xi32, #tpu.memory_space<vmem>>, vector<16xi32>,
      %add3A_135 = arith.constant 16 : i32
      %add3A_136 = vector.broadcast %add3A_135 : i32 to vector<16xi32>
      %add3A_137 = arith.addi %add3A_136, %iota3A : vector<16xi32>
      tpu.vector_store_idx %arg5[%get3A_134, %add3A_137], %broadcast_in_dim3A_5 : memref<96x224xf32, #tpu.memory_space<vmem>>[vector<16xi32>, vector<16xi32>], vector<16xf32>,
      %mul3A_138 = arith.constant 224 : i32
      %mul3A_139 = arith.muli %add3A_118, %mul3A_138 : i32
      %add3A_140 = arith.constant 32 : i32
      %add3A_141 = arith.addi %mul3A_139, %add3A_140 : i32
      %get3A_142 = arith.index_cast %add3A_141 : i32 to index
      %get3A_143 = tpu.vector_load %arg4[%get3A_142] {strides = array<i32>} : memref<12544xi32, #tpu.memory_space<vmem>>, vector<16xi32>,
      %add3A_144 = arith.constant 32 : i32
      %add3A_145 = vector.broadcast %add3A_144 : i32 to vector<16xi32>
      %add3A_146 = arith.addi %add3A_145, %iota3A : vector<16xi32>
      tpu.vector_store_idx %arg5[%get3A_143, %add3A_146], %broadcast_in_dim3A_5 : memref<96x224xf32, #tpu.memory_space<vmem>>[vector<16xi32>, vector<16xi32>], vector<16xf32>,
      %mul3A_147 = arith.constant 224 : i32
      %mul3A_148 = arith.muli %add3A_118, %mul3A_147 : i32
      %add3A_149 = arith.constant 48 : i32
      %add3A_150 = arith.addi %mul3A_148, %add3A_149 : i32
      %get3A_151 = arith.index_cast %add3A_150 : i32 to index
      %get3A_152 = tpu.vector_load %arg4[%get3A_151] {strides = array<i32>} : memref<12544xi32, #tpu.memory_space<vmem>>, vector<16xi32>,
      %add3A_153 = arith.constant 48 : i32
      %add3A_154 = vector.broadcast %add3A_153 : i32 to vector<16xi32>
      %add3A_155 = arith.addi %add3A_154, %iota3A : vector<16xi32>
      tpu.vector_store_idx %arg5[%get3A_152, %add3A_155], %broadcast_in_dim3A_5 : memref<96x224xf32, #tpu.memory_space<vmem>>[vector<16xi32>, vector<16xi32>], vector<16xf32>,
      %mul3A_156 = arith.constant 224 : i32
      %mul3A_157 = arith.muli %add3A_118, %mul3A_156 : i32
      %add3A_158 = arith.constant 64 : i32
      %add3A_159 = arith.addi %mul3A_157, %add3A_158 : i32
      %get3A_160 = arith.index_cast %add3A_159 : i32 to index
      %get3A_161 = tpu.vector_load %arg4[%get3A_160] {strides = array<i32>} : memref<12544xi32, #tpu.memory_space<vmem>>, vector<16xi32>,
      %add3A_162 = arith.constant 64 : i32
      %add3A_163 = vector.broadcast %add3A_162 : i32 to vector<16xi32>
      %add3A_164 = arith.addi %add3A_163, %iota3A : vector<16xi32>
      tpu.vector_store_idx %arg5[%get3A_161, %add3A_164], %broadcast_in_dim3A_5 : memref<96x224xf32, #tpu.memory_space<vmem>>[vector<16xi32>, vector<16xi32>], vector<16xf32>,
      %mul3A_165 = arith.constant 224 : i32
      %mul3A_166 = arith.muli %add3A_118, %mul3A_165 : i32
      %add3A_167 = arith.constant 80 : i32
      %add3A_168 = arith.addi %mul3A_166, %add3A_167 : i32
      %get3A_169 = arith.index_cast %add3A_168 : i32 to index
      %get3A_170 = tpu.vector_load %arg4[%get3A_169] {strides = array<i32>} : memref<12544xi32, #tpu.memory_space<vmem>>, vector<16xi32>,
      %add3A_171 = arith.constant 80 : i32
      %add3A_172 = vector.broadcast %add3A_171 : i32 to vector<16xi32>
      %add3A_173 = arith.addi %add3A_172, %iota3A : vector<16xi32>
      tpu.vector_store_idx %arg5[%get3A_170, %add3A_173], %broadcast_in_dim3A_5 : memref<96x224xf32, #tpu.memory_space<vmem>>[vector<16xi32>, vector<16xi32>], vector<16xf32>,
      %mul3A_174 = arith.constant 224 : i32
      %mul3A_175 = arith.muli %add3A_118, %mul3A_174 : i32
      %add3A_176 = arith.constant 96 : i32
      %add3A_177 = arith.addi %mul3A_175, %add3A_176 : i32
      %get3A_178 = arith.index_cast %add3A_177 : i32 to index
      %get3A_179 = tpu.vector_load %arg4[%get3A_178] {strides = array<i32>} : memref<12544xi32, #tpu.memory_space<vmem>>, vector<16xi32>,
      %add3A_180 = arith.constant 96 : i32
      %add3A_181 = vector.broadcast %add3A_180 : i32 to vector<16xi32>
      %add3A_182 = arith.addi %add3A_181, %iota3A : vector<16xi32>
      tpu.vector_store_idx %arg5[%get3A_179, %add3A_182], %broadcast_in_dim3A_5 : memref<96x224xf32, #tpu.memory_space<vmem>>[vector<16xi32>, vector<16xi32>], vector<16xf32>,
      %mul3A_183 = arith.constant 224 : i32
      %mul3A_184 = arith.muli %add3A_118, %mul3A_183 : i32
      %add3A_185 = arith.constant 112 : i32
      %add3A_186 = arith.addi %mul3A_184, %add3A_185 : i32
      %get3A_187 = arith.index_cast %add3A_186 : i32 to index
      %get3A_188 = tpu.vector_load %arg4[%get3A_187] {strides = array<i32>} : memref<12544xi32, #tpu.memory_space<vmem>>, vector<16xi32>,
      %add3A_189 = arith.constant 112 : i32
      %add3A_190 = vector.broadcast %add3A_189 : i32 to vector<16xi32>
      %add3A_191 = arith.addi %add3A_190, %iota3A : vector<16xi32>
      tpu.vector_store_idx %arg5[%get3A_188, %add3A_191], %broadcast_in_dim3A_5 : memref<96x224xf32, #tpu.memory_space<vmem>>[vector<16xi32>, vector<16xi32>], vector<16xf32>,
      %mul3A_192 = arith.constant 224 : i32
      %mul3A_193 = arith.muli %add3A_118, %mul3A_192 : i32
      %add3A_194 = arith.constant 128 : i32
      %add3A_195 = arith.addi %mul3A_193, %add3A_194 : i32
      %get3A_196 = arith.index_cast %add3A_195 : i32 to index
      %get3A_197 = tpu.vector_load %arg4[%get3A_196] {strides = array<i32>} : memref<12544xi32, #tpu.memory_space<vmem>>, vector<16xi32>,
      %add3A_198 = arith.constant 128 : i32
      %add3A_199 = vector.broadcast %add3A_198 : i32 to vector<16xi32>
      %add3A_200 = arith.addi %add3A_199, %iota3A : vector<16xi32>
      tpu.vector_store_idx %arg5[%get3A_197, %add3A_200], %broadcast_in_dim3A_5 : memref<96x224xf32, #tpu.memory_space<vmem>>[vector<16xi32>, vector<16xi32>], vector<16xf32>,
      %mul3A_201 = arith.constant 224 : i32
      %mul3A_202 = arith.muli %add3A_118, %mul3A_201 : i32
      %add3A_203 = arith.constant 144 : i32
      %add3A_204 = arith.addi %mul3A_202, %add3A_203 : i32
      %get3A_205 = arith.index_cast %add3A_204 : i32 to index
      %get3A_206 = tpu.vector_load %arg4[%get3A_205] {strides = array<i32>} : memref<12544xi32, #tpu.memory_space<vmem>>, vector<16xi32>,
      %add3A_207 = arith.constant 144 : i32
      %add3A_208 = vector.broadcast %add3A_207 : i32 to vector<16xi32>
      %add3A_209 = arith.addi %add3A_208, %iota3A : vector<16xi32>
      tpu.vector_store_idx %arg5[%get3A_206, %add3A_209], %broadcast_in_dim3A_5 : memref<96x224xf32, #tpu.memory_space<vmem>>[vector<16xi32>, vector<16xi32>], vector<16xf32>,
      %mul3A_210 = arith.constant 224 : i32
      %mul3A_211 = arith.muli %add3A_118, %mul3A_210 : i32
      %add3A_212 = arith.constant 160 : i32
      %add3A_213 = arith.addi %mul3A_211, %add3A_212 : i32
      %get3A_214 = arith.index_cast %add3A_213 : i32 to index
      %get3A_215 = tpu.vector_load %arg4[%get3A_214] {strides = array<i32>} : memref<12544xi32, #tpu.memory_space<vmem>>, vector<16xi32>,
      %add3A_216 = arith.constant 160 : i32
      %add3A_217 = vector.broadcast %add3A_216 : i32 to vector<16xi32>
      %add3A_218 = arith.addi %add3A_217, %iota3A : vector<16xi32>
      tpu.vector_store_idx %arg5[%get3A_215, %add3A_218], %broadcast_in_dim3A_5 : memref<96x224xf32, #tpu.memory_space<vmem>>[vector<16xi32>, vector<16xi32>], vector<16xf32>,
      %mul3A_219 = arith.constant 224 : i32
      %mul3A_220 = arith.muli %add3A_118, %mul3A_219 : i32
      %add3A_221 = arith.constant 176 : i32
      %add3A_222 = arith.addi %mul3A_220, %add3A_221 : i32
      %get3A_223 = arith.index_cast %add3A_222 : i32 to index
      %get3A_224 = tpu.vector_load %arg4[%get3A_223] {strides = array<i32>} : memref<12544xi32, #tpu.memory_space<vmem>>, vector<16xi32>,
      %add3A_225 = arith.constant 176 : i32
      %add3A_226 = vector.broadcast %add3A_225 : i32 to vector<16xi32>
      %add3A_227 = arith.addi %add3A_226, %iota3A : vector<16xi32>
      tpu.vector_store_idx %arg5[%get3A_224, %add3A_227], %broadcast_in_dim3A_5 : memref<96x224xf32, #tpu.memory_space<vmem>>[vector<16xi32>, vector<16xi32>], vector<16xf32>,
      %mul3A_228 = arith.constant 224 : i32
      %mul3A_229 = arith.muli %add3A_118, %mul3A_228 : i32
      %add3A_230 = arith.constant 192 : i32
      %add3A_231 = arith.addi %mul3A_229, %add3A_230 : i32
      %get3A_232 = arith.index_cast %add3A_231 : i32 to index
      %get3A_233 = tpu.vector_load %arg4[%get3A_232] {strides = array<i32>} : memref<12544xi32, #tpu.memory_space<vmem>>, vector<16xi32>,
      %add3A_234 = arith.constant 192 : i32
      %add3A_235 = vector.broadcast %add3A_234 : i32 to vector<16xi32>
      %add3A_236 = arith.addi %add3A_235, %iota3A : vector<16xi32>
      tpu.vector_store_idx %arg5[%get3A_233, %add3A_236], %broadcast_in_dim3A_5 : memref<96x224xf32, #tpu.memory_space<vmem>>[vector<16xi32>, vector<16xi32>], vector<16xf32>,
      %mul3A_237 = arith.constant 224 : i32
      %mul3A_238 = arith.muli %add3A_118, %mul3A_237 : i32
      %add3A_239 = arith.constant 208 : i32
      %add3A_240 = arith.addi %mul3A_238, %add3A_239 : i32
      %get3A_241 = arith.index_cast %add3A_240 : i32 to index
      %get3A_242 = tpu.vector_load %arg4[%get3A_241] {strides = array<i32>} : memref<12544xi32, #tpu.memory_space<vmem>>, vector<16xi32>,
      %add3A_243 = arith.constant 208 : i32
      %add3A_244 = vector.broadcast %add3A_243 : i32 to vector<16xi32>
      %add3A_245 = arith.addi %add3A_244, %iota3A : vector<16xi32>
      tpu.vector_store_idx %arg5[%get3A_242, %add3A_245], %broadcast_in_dim3A_5 : memref<96x224xf32, #tpu.memory_space<vmem>>[vector<16xi32>, vector<16xi32>], vector<16xf32>,
      %add3A_246 = arith.addi %mul3A_2, %add3A_118 : i32
      %jit3A_247 = arith.constant 224 : i32
      %div3A_248 = arith.divsi %add3A_246, %jit3A_247 : i32
      %sign3A_249 = arith.constant 0 : i32
      %sign3A_250 = arith.cmpi sgt, %add3A_246, %sign3A_249 : i32
      %sign3A_251 = arith.extui %sign3A_250 : i1 to i32
      %sign3A_252 = arith.constant 0 : i32
      %sign3A_253 = arith.cmpi slt, %add3A_246, %sign3A_252 : i32
      %sign3A_254 = arith.extui %sign3A_253 : i1 to i32
      %sign3A_255 = arith.subi %sign3A_251, %sign3A_254 : i32
      %sign3A_256 = arith.constant 0 : i32
      %sign3A_257 = arith.cmpi sgt, %jit3A_247, %sign3A_256 : i32
      %sign3A_258 = arith.extui %sign3A_257 : i1 to i32
      %sign3A_259 = arith.constant 0 : i32
      %sign3A_260 = arith.cmpi slt, %jit3A_247, %sign3A_259 : i32
      %sign3A_261 = arith.extui %sign3A_260 : i1 to i32
      %sign3A_262 = arith.subi %sign3A_258, %sign3A_261 : i32
      %ne3A_263 = arith.cmpi ne, %sign3A_255, %sign3A_262 : i32
      %rem3A_264 = arith.remsi %add3A_246, %jit3A_247 : i32
      %ne3A_265 = arith.constant 0 : i32
      %ne3A_266 = arith.cmpi ne, %rem3A_264, %ne3A_265 : i32
      %and3A_267 = arith.andi %ne3A_263, %ne3A_266 : i1
      %sub3A_268 = arith.constant 1 : i32
      %sub3A_269 = arith.subi %div3A_248, %sub3A_268 : i32
      %select_n3A_270 = arith.select %and3A_267, %sub3A_269, %div3A_248 : i32
      %jit3A_271 = arith.constant 224 : i32
      %eq3A_272 = arith.constant 0 : i32
      %eq3A_273 = arith.cmpi eq, %jit3A_271, %eq3A_272 : i32
      %jit3A_274 = arith.constant 1 : i32
      %select_n3A_275 = arith.select %eq3A_273, %jit3A_274, %jit3A_271 : i32
      %rem3A_276 = arith.remsi %add3A_246, %select_n3A_275 : i32
      %ne3A_277 = arith.constant 0 : i32
      %ne3A_278 = arith.cmpi ne, %rem3A_276, %ne3A_277 : i32
      %lt3A_279 = arith.constant 0 : i32
      %lt3A_280 = arith.cmpi slt, %rem3A_276, %lt3A_279 : i32
      %lt3A_281 = arith.constant 0 : i32
      %lt3A_282 = arith.cmpi slt, %select_n3A_275, %lt3A_281 : i32
      %ne3A_283 = arith.xori %lt3A_280, %lt3A_282 : i1
      %and3A_284 = arith.andi %ne3A_283, %ne3A_278 : i1
      %add3A_285 = arith.addi %rem3A_276, %select_n3A_275 : i32
      %select_n3A_286 = arith.select %and3A_284, %add3A_285, %rem3A_276 : i32
      %dma_start3A_287 = arith.constant 0 : i32
      %dma_start3A_288 = arith.constant 0 : i32
      %dma_start3A_289 = tpu.memref_slice %arg3[%select_n3A_270, %dma_start3A_287, %select_n3A_286, %dma_start3A_288] : memref<8x96x224x224xf32, #tpu.memory_space<hbm>> -> memref<1x96x1x224xf32, #tpu.memory_space<hbm>>
      %dma_start3A_290 = tpu.memref_squeeze %dma_start3A_289 : memref<1x96x1x224xf32, #tpu.memory_space<hbm>> -> memref<96x224xf32, #tpu.memory_space<hbm>>
      %dma_start3A_291 = arith.constant 0 : i32
      %dma_start3A_292 = arith.constant 0 : i32
      %dma_start3A_293 = tpu.memref_slice %arg3[%select_n3A_270, %dma_start3A_291, %select_n3A_286, %dma_start3A_292] : memref<8x96x224x224xf32, #tpu.memory_space<hbm>> -> memref<1x96x1x224xf32, #tpu.memory_space<hbm>>
      %dma_start3A_294 = tpu.memref_squeeze %dma_start3A_293 : memref<1x96x1x224xf32, #tpu.memory_space<hbm>> -> memref<96x224xf32, #tpu.memory_space<hbm>>
      tpu.enqueue_dma source(%arg5 : memref<96x224xf32, #tpu.memory_space<vmem>>) target(%dma_start3A_294 : memref<96x224xf32, #tpu.memory_space<hbm>>) target_semaphore(%arg8 : memref<!tpu.dma_semaphore, #tpu.memory_space<semaphore_mem>>)
      %mul3A_295 = arith.constant 2 : i32
      %mul3A_296 = arith.muli %scan3A_113, %mul3A_295 : i32
      %add3A_297 = arith.constant 1 : i32
      %add3A_298 = arith.addi %mul3A_296, %add3A_297 : i32
      %gt3A_299 = arith.constant 0 : i32
      %gt3A_300 = arith.cmpi sgt, %scan3A_113, %gt3A_299 : i32
      %convert_element_type3A_301 = arith.extui %gt3A_300 : i1 to i32
      %cond3A_302 = arith.constant 0 : i32
      %cond3A_303 = arith.cmpi ne, %convert_element_type3A_301, %cond3A_302 : i32
      scf.if %cond3A_303 {
        %sub3A_480 = arith.constant 2 : i32
        %sub3A_481 = arith.subi %add3A_298, %sub3A_480 : i32
        %add3A_482 = arith.addi %mul3A_2, %sub3A_481 : i32
        %jit3A_483 = arith.constant 224 : i32
        %div3A_484 = arith.divsi %add3A_482, %jit3A_483 : i32
        %sign3A_485 = arith.constant 0 : i32
        %sign3A_486 = arith.cmpi sgt, %add3A_482, %sign3A_485 : i32
        %sign3A_487 = arith.extui %sign3A_486 : i1 to i32
        %sign3A_488 = arith.constant 0 : i32
        %sign3A_489 = arith.cmpi slt, %add3A_482, %sign3A_488 : i32
        %sign3A_490 = arith.extui %sign3A_489 : i1 to i32
        %sign3A_491 = arith.subi %sign3A_487, %sign3A_490 : i32
        %sign3A_492 = arith.constant 0 : i32
        %sign3A_493 = arith.cmpi sgt, %jit3A_483, %sign3A_492 : i32
        %sign3A_494 = arith.extui %sign3A_493 : i1 to i32
        %sign3A_495 = arith.constant 0 : i32
        %sign3A_496 = arith.cmpi slt, %jit3A_483, %sign3A_495 : i32
        %sign3A_497 = arith.extui %sign3A_496 : i1 to i32
        %sign3A_498 = arith.subi %sign3A_494, %sign3A_497 : i32
        %ne3A_499 = arith.cmpi ne, %sign3A_491, %sign3A_498 : i32
        %rem3A_500 = arith.remsi %add3A_482, %jit3A_483 : i32
        %ne3A_501 = arith.constant 0 : i32
        %ne3A_502 = arith.cmpi ne, %rem3A_500, %ne3A_501 : i32
        %and3A_503 = arith.andi %ne3A_499, %ne3A_502 : i1
        %sub3A_504 = arith.constant 1 : i32
        %sub3A_505 = arith.subi %div3A_484, %sub3A_504 : i32
        %select_n3A_506 = arith.select %and3A_503, %sub3A_505, %div3A_484 : i32
        %jit3A_507 = arith.constant 224 : i32
        %eq3A_508 = arith.constant 0 : i32
        %eq3A_509 = arith.cmpi eq, %jit3A_507, %eq3A_508 : i32
        %jit3A_510 = arith.constant 1 : i32
        %select_n3A_511 = arith.select %eq3A_509, %jit3A_510, %jit3A_507 : i32
        %rem3A_512 = arith.remsi %add3A_482, %select_n3A_511 : i32
        %ne3A_513 = arith.constant 0 : i32
        %ne3A_514 = arith.cmpi ne, %rem3A_512, %ne3A_513 : i32
        %lt3A_515 = arith.constant 0 : i32
        %lt3A_516 = arith.cmpi slt, %rem3A_512, %lt3A_515 : i32
        %lt3A_517 = arith.constant 0 : i32
        %lt3A_518 = arith.cmpi slt, %select_n3A_511, %lt3A_517 : i32
        %ne3A_519 = arith.xori %lt3A_516, %lt3A_518 : i1
        %and3A_520 = arith.andi %ne3A_519, %ne3A_514 : i1
        %add3A_521 = arith.addi %rem3A_512, %select_n3A_511 : i32
        %select_n3A_522 = arith.select %and3A_520, %add3A_521, %rem3A_512 : i32
        %dma_wait3A_523 = arith.constant 0 : i32
        %dma_wait3A_524 = arith.constant 0 : i32
        %dma_wait3A_525 = tpu.memref_slice %arg3[%select_n3A_506, %dma_wait3A_523, %select_n3A_522, %dma_wait3A_524] : memref<8x96x224x224xf32, #tpu.memory_space<hbm>> -> memref<1x96x1x224xf32, #tpu.memory_space<hbm>>
        %dma_wait3A_526 = tpu.memref_squeeze %dma_wait3A_525 : memref<1x96x1x224xf32, #tpu.memory_space<hbm>> -> memref<96x224xf32, #tpu.memory_space<hbm>>
        %dma_wait3A_527 = arith.constant 0 : i32
        %dma_wait3A_528 = arith.constant 0 : i32
        %dma_wait3A_529 = tpu.memref_slice %arg3[%select_n3A_506, %dma_wait3A_527, %select_n3A_522, %dma_wait3A_528] : memref<8x96x224x224xf32, #tpu.memory_space<hbm>> -> memref<1x96x1x224xf32, #tpu.memory_space<hbm>>
        %dma_wait3A_530 = tpu.memref_squeeze %dma_wait3A_529 : memref<1x96x1x224xf32, #tpu.memory_space<hbm>> -> memref<96x224xf32, #tpu.memory_space<hbm>>
        tpu.wait_dma2 semaphore(%arg9 : memref<!tpu.dma_semaphore, #tpu.memory_space<semaphore_mem>>) src(%arg6 : memref<96x224xf32, #tpu.memory_space<vmem>>) dst(%dma_wait3A_530 : memref<96x224xf32, #tpu.memory_space<hbm>>)
        %sub3A_531 = arith.constant 2 : i32
        %sub3A_532 = arith.subi %add3A_298, %sub3A_531 : i32
        %mul3A_533 = arith.constant 224 : i32
        %mul3A_534 = arith.muli %sub3A_532, %mul3A_533 : i32
        %add3A_535 = arith.constant 0 : i32
        %add3A_536 = arith.addi %mul3A_534, %add3A_535 : i32
        %get3A_537 = arith.index_cast %add3A_536 : i32 to index
        %get3A_538 = tpu.vector_load %arg4[%get3A_537] {strides = array<i32>} : memref<12544xi32, #tpu.memory_space<vmem>>, vector<16xi32>,
        %add3A_539 = arith.constant 0 : i32
        %add3A_540 = vector.broadcast %add3A_539 : i32 to vector<16xi32>
        %add3A_541 = arith.addi %add3A_540, %iota3A : vector<16xi32>
        tpu.vector_store_idx %arg6[%get3A_538, %add3A_541], %broadcast_in_dim3A_3 : memref<96x224xf32, #tpu.memory_space<vmem>>[vector<16xi32>, vector<16xi32>], vector<16xf32>,
        %mul3A_542 = arith.constant 224 : i32
        %mul3A_543 = arith.muli %sub3A_532, %mul3A_542 : i32
        %add3A_544 = arith.constant 16 : i32
        %add3A_545 = arith.addi %mul3A_543, %add3A_544 : i32
        %get3A_546 = arith.index_cast %add3A_545 : i32 to index
        %get3A_547 = tpu.vector_load %arg4[%get3A_546] {strides = array<i32>} : memref<12544xi32, #tpu.memory_space<vmem>>, vector<16xi32>,
        %add3A_548 = arith.constant 16 : i32
        %add3A_549 = vector.broadcast %add3A_548 : i32 to vector<16xi32>
        %add3A_550 = arith.addi %add3A_549, %iota3A : vector<16xi32>
        tpu.vector_store_idx %arg6[%get3A_547, %add3A_550], %broadcast_in_dim3A_3 : memref<96x224xf32, #tpu.memory_space<vmem>>[vector<16xi32>, vector<16xi32>], vector<16xf32>,
        %mul3A_551 = arith.constant 224 : i32
        %mul3A_552 = arith.muli %sub3A_532, %mul3A_551 : i32
        %add3A_553 = arith.constant 32 : i32
        %add3A_554 = arith.addi %mul3A_552, %add3A_553 : i32
        %get3A_555 = arith.index_cast %add3A_554 : i32 to index
        %get3A_556 = tpu.vector_load %arg4[%get3A_555] {strides = array<i32>} : memref<12544xi32, #tpu.memory_space<vmem>>, vector<16xi32>,
        %add3A_557 = arith.constant 32 : i32
        %add3A_558 = vector.broadcast %add3A_557 : i32 to vector<16xi32>
        %add3A_559 = arith.addi %add3A_558, %iota3A : vector<16xi32>
        tpu.vector_store_idx %arg6[%get3A_556, %add3A_559], %broadcast_in_dim3A_3 : memref<96x224xf32, #tpu.memory_space<vmem>>[vector<16xi32>, vector<16xi32>], vector<16xf32>,
        %mul3A_560 = arith.constant 224 : i32
        %mul3A_561 = arith.muli %sub3A_532, %mul3A_560 : i32
        %add3A_562 = arith.constant 48 : i32
        %add3A_563 = arith.addi %mul3A_561, %add3A_562 : i32
        %get3A_564 = arith.index_cast %add3A_563 : i32 to index
        %get3A_565 = tpu.vector_load %arg4[%get3A_564] {strides = array<i32>} : memref<12544xi32, #tpu.memory_space<vmem>>, vector<16xi32>,
        %add3A_566 = arith.constant 48 : i32
        %add3A_567 = vector.broadcast %add3A_566 : i32 to vector<16xi32>
        %add3A_568 = arith.addi %add3A_567, %iota3A : vector<16xi32>
        tpu.vector_store_idx %arg6[%get3A_565, %add3A_568], %broadcast_in_dim3A_3 : memref<96x224xf32, #tpu.memory_space<vmem>>[vector<16xi32>, vector<16xi32>], vector<16xf32>,
        %mul3A_569 = arith.constant 224 : i32
        %mul3A_570 = arith.muli %sub3A_532, %mul3A_569 : i32
        %add3A_571 = arith.constant 64 : i32
        %add3A_572 = arith.addi %mul3A_570, %add3A_571 : i32
        %get3A_573 = arith.index_cast %add3A_572 : i32 to index
        %get3A_574 = tpu.vector_load %arg4[%get3A_573] {strides = array<i32>} : memref<12544xi32, #tpu.memory_space<vmem>>, vector<16xi32>,
        %add3A_575 = arith.constant 64 : i32
        %add3A_576 = vector.broadcast %add3A_575 : i32 to vector<16xi32>
        %add3A_577 = arith.addi %add3A_576, %iota3A : vector<16xi32>
        tpu.vector_store_idx %arg6[%get3A_574, %add3A_577], %broadcast_in_dim3A_3 : memref<96x224xf32, #tpu.memory_space<vmem>>[vector<16xi32>, vector<16xi32>], vector<16xf32>,
        %mul3A_578 = arith.constant 224 : i32
        %mul3A_579 = arith.muli %sub3A_532, %mul3A_578 : i32
        %add3A_580 = arith.constant 80 : i32
        %add3A_581 = arith.addi %mul3A_579, %add3A_580 : i32
        %get3A_582 = arith.index_cast %add3A_581 : i32 to index
        %get3A_583 = tpu.vector_load %arg4[%get3A_582] {strides = array<i32>} : memref<12544xi32, #tpu.memory_space<vmem>>, vector<16xi32>,
        %add3A_584 = arith.constant 80 : i32
        %add3A_585 = vector.broadcast %add3A_584 : i32 to vector<16xi32>
        %add3A_586 = arith.addi %add3A_585, %iota3A : vector<16xi32>
        tpu.vector_store_idx %arg6[%get3A_583, %add3A_586], %broadcast_in_dim3A_3 : memref<96x224xf32, #tpu.memory_space<vmem>>[vector<16xi32>, vector<16xi32>], vector<16xf32>,
        %mul3A_587 = arith.constant 224 : i32
        %mul3A_588 = arith.muli %sub3A_532, %mul3A_587 : i32
        %add3A_589 = arith.constant 96 : i32
        %add3A_590 = arith.addi %mul3A_588, %add3A_589 : i32
        %get3A_591 = arith.index_cast %add3A_590 : i32 to index
        %get3A_592 = tpu.vector_load %arg4[%get3A_591] {strides = array<i32>} : memref<12544xi32, #tpu.memory_space<vmem>>, vector<16xi32>,
        %add3A_593 = arith.constant 96 : i32
        %add3A_594 = vector.broadcast %add3A_593 : i32 to vector<16xi32>
        %add3A_595 = arith.addi %add3A_594, %iota3A : vector<16xi32>
        tpu.vector_store_idx %arg6[%get3A_592, %add3A_595], %broadcast_in_dim3A_3 : memref<96x224xf32, #tpu.memory_space<vmem>>[vector<16xi32>, vector<16xi32>], vector<16xf32>,
        %mul3A_596 = arith.constant 224 : i32
        %mul3A_597 = arith.muli %sub3A_532, %mul3A_596 : i32
        %add3A_598 = arith.constant 112 : i32
        %add3A_599 = arith.addi %mul3A_597, %add3A_598 : i32
        %get3A_600 = arith.index_cast %add3A_599 : i32 to index
        %get3A_601 = tpu.vector_load %arg4[%get3A_600] {strides = array<i32>} : memref<12544xi32, #tpu.memory_space<vmem>>, vector<16xi32>,
        %add3A_602 = arith.constant 112 : i32
        %add3A_603 = vector.broadcast %add3A_602 : i32 to vector<16xi32>
        %add3A_604 = arith.addi %add3A_603, %iota3A : vector<16xi32>
        tpu.vector_store_idx %arg6[%get3A_601, %add3A_604], %broadcast_in_dim3A_3 : memref<96x224xf32, #tpu.memory_space<vmem>>[vector<16xi32>, vector<16xi32>], vector<16xf32>,
        %mul3A_605 = arith.constant 224 : i32
        %mul3A_606 = arith.muli %sub3A_532, %mul3A_605 : i32
        %add3A_607 = arith.constant 128 : i32
        %add3A_608 = arith.addi %mul3A_606, %add3A_607 : i32
        %get3A_609 = arith.index_cast %add3A_608 : i32 to index
        %get3A_610 = tpu.vector_load %arg4[%get3A_609] {strides = array<i32>} : memref<12544xi32, #tpu.memory_space<vmem>>, vector<16xi32>,
        %add3A_611 = arith.constant 128 : i32
        %add3A_612 = vector.broadcast %add3A_611 : i32 to vector<16xi32>
        %add3A_613 = arith.addi %add3A_612, %iota3A : vector<16xi32>
        tpu.vector_store_idx %arg6[%get3A_610, %add3A_613], %broadcast_in_dim3A_3 : memref<96x224xf32, #tpu.memory_space<vmem>>[vector<16xi32>, vector<16xi32>], vector<16xf32>,
        %mul3A_614 = arith.constant 224 : i32
        %mul3A_615 = arith.muli %sub3A_532, %mul3A_614 : i32
        %add3A_616 = arith.constant 144 : i32
        %add3A_617 = arith.addi %mul3A_615, %add3A_616 : i32
        %get3A_618 = arith.index_cast %add3A_617 : i32 to index
        %get3A_619 = tpu.vector_load %arg4[%get3A_618] {strides = array<i32>} : memref<12544xi32, #tpu.memory_space<vmem>>, vector<16xi32>,
        %add3A_620 = arith.constant 144 : i32
        %add3A_621 = vector.broadcast %add3A_620 : i32 to vector<16xi32>
        %add3A_622 = arith.addi %add3A_621, %iota3A : vector<16xi32>
        tpu.vector_store_idx %arg6[%get3A_619, %add3A_622], %broadcast_in_dim3A_3 : memref<96x224xf32, #tpu.memory_space<vmem>>[vector<16xi32>, vector<16xi32>], vector<16xf32>,
        %mul3A_623 = arith.constant 224 : i32
        %mul3A_624 = arith.muli %sub3A_532, %mul3A_623 : i32
        %add3A_625 = arith.constant 160 : i32
        %add3A_626 = arith.addi %mul3A_624, %add3A_625 : i32
        %get3A_627 = arith.index_cast %add3A_626 : i32 to index
        %get3A_628 = tpu.vector_load %arg4[%get3A_627] {strides = array<i32>} : memref<12544xi32, #tpu.memory_space<vmem>>, vector<16xi32>,
        %add3A_629 = arith.constant 160 : i32
        %add3A_630 = vector.broadcast %add3A_629 : i32 to vector<16xi32>
        %add3A_631 = arith.addi %add3A_630, %iota3A : vector<16xi32>
        tpu.vector_store_idx %arg6[%get3A_628, %add3A_631], %broadcast_in_dim3A_3 : memref<96x224xf32, #tpu.memory_space<vmem>>[vector<16xi32>, vector<16xi32>], vector<16xf32>,
        %mul3A_632 = arith.constant 224 : i32
        %mul3A_633 = arith.muli %sub3A_532, %mul3A_632 : i32
        %add3A_634 = arith.constant 176 : i32
        %add3A_635 = arith.addi %mul3A_633, %add3A_634 : i32
        %get3A_636 = arith.index_cast %add3A_635 : i32 to index
        %get3A_637 = tpu.vector_load %arg4[%get3A_636] {strides = array<i32>} : memref<12544xi32, #tpu.memory_space<vmem>>, vector<16xi32>,
        %add3A_638 = arith.constant 176 : i32
        %add3A_639 = vector.broadcast %add3A_638 : i32 to vector<16xi32>
        %add3A_640 = arith.addi %add3A_639, %iota3A : vector<16xi32>
        tpu.vector_store_idx %arg6[%get3A_637, %add3A_640], %broadcast_in_dim3A_3 : memref<96x224xf32, #tpu.memory_space<vmem>>[vector<16xi32>, vector<16xi32>], vector<16xf32>,
        %mul3A_641 = arith.constant 224 : i32
        %mul3A_642 = arith.muli %sub3A_532, %mul3A_641 : i32
        %add3A_643 = arith.constant 192 : i32
        %add3A_644 = arith.addi %mul3A_642, %add3A_643 : i32
        %get3A_645 = arith.index_cast %add3A_644 : i32 to index
        %get3A_646 = tpu.vector_load %arg4[%get3A_645] {strides = array<i32>} : memref<12544xi32, #tpu.memory_space<vmem>>, vector<16xi32>,
        %add3A_647 = arith.constant 192 : i32
        %add3A_648 = vector.broadcast %add3A_647 : i32 to vector<16xi32>
        %add3A_649 = arith.addi %add3A_648, %iota3A : vector<16xi32>
        tpu.vector_store_idx %arg6[%get3A_646, %add3A_649], %broadcast_in_dim3A_3 : memref<96x224xf32, #tpu.memory_space<vmem>>[vector<16xi32>, vector<16xi32>], vector<16xf32>,
        %mul3A_650 = arith.constant 224 : i32
        %mul3A_651 = arith.muli %sub3A_532, %mul3A_650 : i32
        %add3A_652 = arith.constant 208 : i32
        %add3A_653 = arith.addi %mul3A_651, %add3A_652 : i32
        %get3A_654 = arith.index_cast %add3A_653 : i32 to index
        %get3A_655 = tpu.vector_load %arg4[%get3A_654] {strides = array<i32>} : memref<12544xi32, #tpu.memory_space<vmem>>, vector<16xi32>,
        %add3A_656 = arith.constant 208 : i32
        %add3A_657 = vector.broadcast %add3A_656 : i32 to vector<16xi32>
        %add3A_658 = arith.addi %add3A_657, %iota3A : vector<16xi32>
        tpu.vector_store_idx %arg6[%get3A_655, %add3A_658], %broadcast_in_dim3A_3 : memref<96x224xf32, #tpu.memory_space<vmem>>[vector<16xi32>, vector<16xi32>], vector<16xf32>,
      } else {
      }
      %mul3A_304 = arith.constant 224 : i32
      %mul3A_305 = arith.muli %add3A_298, %mul3A_304 : i32
      %add3A_306 = arith.constant 0 : i32
      %add3A_307 = arith.addi %mul3A_305, %add3A_306 : i32
      %get3A_308 = arith.index_cast %add3A_307 : i32 to index
      %get3A_309 = tpu.vector_load %arg4[%get3A_308] {strides = array<i32>} : memref<12544xi32, #tpu.memory_space<vmem>>, vector<16xi32>,
      %add3A_310 = arith.constant 0 : i32
      %add3A_311 = vector.broadcast %add3A_310 : i32 to vector<16xi32>
      %add3A_312 = arith.addi %add3A_311, %iota3A : vector<16xi32>
      tpu.vector_store_idx %arg6[%get3A_309, %add3A_312], %broadcast_in_dim3A_5 : memref<96x224xf32, #tpu.memory_space<vmem>>[vector<16xi32>, vector<16xi32>], vector<16xf32>,
      %mul3A_313 = arith.constant 224 : i32
      %mul3A_314 = arith.muli %add3A_298, %mul3A_313 : i32
      %add3A_315 = arith.constant 16 : i32
      %add3A_316 = arith.addi %mul3A_314, %add3A_315 : i32
      %get3A_317 = arith.index_cast %add3A_316 : i32 to index
      %get3A_318 = tpu.vector_load %arg4[%get3A_317] {strides = array<i32>} : memref<12544xi32, #tpu.memory_space<vmem>>, vector<16xi32>,
      %add3A_319 = arith.constant 16 : i32
      %add3A_320 = vector.broadcast %add3A_319 : i32 to vector<16xi32>
      %add3A_321 = arith.addi %add3A_320, %iota3A : vector<16xi32>
      tpu.vector_store_idx %arg6[%get3A_318, %add3A_321], %broadcast_in_dim3A_5 : memref<96x224xf32, #tpu.memory_space<vmem>>[vector<16xi32>, vector<16xi32>], vector<16xf32>,
      %mul3A_322 = arith.constant 224 : i32
      %mul3A_323 = arith.muli %add3A_298, %mul3A_322 : i32
      %add3A_324 = arith.constant 32 : i32
      %add3A_325 = arith.addi %mul3A_323, %add3A_324 : i32
      %get3A_326 = arith.index_cast %add3A_325 : i32 to index
      %get3A_327 = tpu.vector_load %arg4[%get3A_326] {strides = array<i32>} : memref<12544xi32, #tpu.memory_space<vmem>>, vector<16xi32>,
      %add3A_328 = arith.constant 32 : i32
      %add3A_329 = vector.broadcast %add3A_328 : i32 to vector<16xi32>
      %add3A_330 = arith.addi %add3A_329, %iota3A : vector<16xi32>
      tpu.vector_store_idx %arg6[%get3A_327, %add3A_330], %broadcast_in_dim3A_5 : memref<96x224xf32, #tpu.memory_space<vmem>>[vector<16xi32>, vector<16xi32>], vector<16xf32>,
      %mul3A_331 = arith.constant 224 : i32
      %mul3A_332 = arith.muli %add3A_298, %mul3A_331 : i32
      %add3A_333 = arith.constant 48 : i32
      %add3A_334 = arith.addi %mul3A_332, %add3A_333 : i32
      %get3A_335 = arith.index_cast %add3A_334 : i32 to index
      %get3A_336 = tpu.vector_load %arg4[%get3A_335] {strides = array<i32>} : memref<12544xi32, #tpu.memory_space<vmem>>, vector<16xi32>,
      %add3A_337 = arith.constant 48 : i32
      %add3A_338 = vector.broadcast %add3A_337 : i32 to vector<16xi32>
      %add3A_339 = arith.addi %add3A_338, %iota3A : vector<16xi32>
      tpu.vector_store_idx %arg6[%get3A_336, %add3A_339], %broadcast_in_dim3A_5 : memref<96x224xf32, #tpu.memory_space<vmem>>[vector<16xi32>, vector<16xi32>], vector<16xf32>,
      %mul3A_340 = arith.constant 224 : i32
      %mul3A_341 = arith.muli %add3A_298, %mul3A_340 : i32
      %add3A_342 = arith.constant 64 : i32
      %add3A_343 = arith.addi %mul3A_341, %add3A_342 : i32
      %get3A_344 = arith.index_cast %add3A_343 : i32 to index
      %get3A_345 = tpu.vector_load %arg4[%get3A_344] {strides = array<i32>} : memref<12544xi32, #tpu.memory_space<vmem>>, vector<16xi32>,
      %add3A_346 = arith.constant 64 : i32
      %add3A_347 = vector.broadcast %add3A_346 : i32 to vector<16xi32>
      %add3A_348 = arith.addi %add3A_347, %iota3A : vector<16xi32>
      tpu.vector_store_idx %arg6[%get3A_345, %add3A_348], %broadcast_in_dim3A_5 : memref<96x224xf32, #tpu.memory_space<vmem>>[vector<16xi32>, vector<16xi32>], vector<16xf32>,
      %mul3A_349 = arith.constant 224 : i32
      %mul3A_350 = arith.muli %add3A_298, %mul3A_349 : i32
      %add3A_351 = arith.constant 80 : i32
      %add3A_352 = arith.addi %mul3A_350, %add3A_351 : i32
      %get3A_353 = arith.index_cast %add3A_352 : i32 to index
      %get3A_354 = tpu.vector_load %arg4[%get3A_353] {strides = array<i32>} : memref<12544xi32, #tpu.memory_space<vmem>>, vector<16xi32>,
      %add3A_355 = arith.constant 80 : i32
      %add3A_356 = vector.broadcast %add3A_355 : i32 to vector<16xi32>
      %add3A_357 = arith.addi %add3A_356, %iota3A : vector<16xi32>
      tpu.vector_store_idx %arg6[%get3A_354, %add3A_357], %broadcast_in_dim3A_5 : memref<96x224xf32, #tpu.memory_space<vmem>>[vector<16xi32>, vector<16xi32>], vector<16xf32>,
      %mul3A_358 = arith.constant 224 : i32
      %mul3A_359 = arith.muli %add3A_298, %mul3A_358 : i32
      %add3A_360 = arith.constant 96 : i32
      %add3A_361 = arith.addi %mul3A_359, %add3A_360 : i32
      %get3A_362 = arith.index_cast %add3A_361 : i32 to index
      %get3A_363 = tpu.vector_load %arg4[%get3A_362] {strides = array<i32>} : memref<12544xi32, #tpu.memory_space<vmem>>, vector<16xi32>,
      %add3A_364 = arith.constant 96 : i32
      %add3A_365 = vector.broadcast %add3A_364 : i32 to vector<16xi32>
      %add3A_366 = arith.addi %add3A_365, %iota3A : vector<16xi32>
      tpu.vector_store_idx %arg6[%get3A_363, %add3A_366], %broadcast_in_dim3A_5 : memref<96x224xf32, #tpu.memory_space<vmem>>[vector<16xi32>, vector<16xi32>], vector<16xf32>,
      %mul3A_367 = arith.constant 224 : i32
      %mul3A_368 = arith.muli %add3A_298, %mul3A_367 : i32
      %add3A_369 = arith.constant 112 : i32
      %add3A_370 = arith.addi %mul3A_368, %add3A_369 : i32
      %get3A_371 = arith.index_cast %add3A_370 : i32 to index
      %get3A_372 = tpu.vector_load %arg4[%get3A_371] {strides = array<i32>} : memref<12544xi32, #tpu.memory_space<vmem>>, vector<16xi32>,
      %add3A_373 = arith.constant 112 : i32
      %add3A_374 = vector.broadcast %add3A_373 : i32 to vector<16xi32>
      %add3A_375 = arith.addi %add3A_374, %iota3A : vector<16xi32>
      tpu.vector_store_idx %arg6[%get3A_372, %add3A_375], %broadcast_in_dim3A_5 : memref<96x224xf32, #tpu.memory_space<vmem>>[vector<16xi32>, vector<16xi32>], vector<16xf32>,
      %mul3A_376 = arith.constant 224 : i32
      %mul3A_377 = arith.muli %add3A_298, %mul3A_376 : i32
      %add3A_378 = arith.constant 128 : i32
      %add3A_379 = arith.addi %mul3A_377, %add3A_378 : i32
      %get3A_380 = arith.index_cast %add3A_379 : i32 to index
      %get3A_381 = tpu.vector_load %arg4[%get3A_380] {strides = array<i32>} : memref<12544xi32, #tpu.memory_space<vmem>>, vector<16xi32>,
      %add3A_382 = arith.constant 128 : i32
      %add3A_383 = vector.broadcast %add3A_382 : i32 to vector<16xi32>
      %add3A_384 = arith.addi %add3A_383, %iota3A : vector<16xi32>
      tpu.vector_store_idx %arg6[%get3A_381, %add3A_384], %broadcast_in_dim3A_5 : memref<96x224xf32, #tpu.memory_space<vmem>>[vector<16xi32>, vector<16xi32>], vector<16xf32>,
      %mul3A_385 = arith.constant 224 : i32
      %mul3A_386 = arith.muli %add3A_298, %mul3A_385 : i32
      %add3A_387 = arith.constant 144 : i32
      %add3A_388 = arith.addi %mul3A_386, %add3A_387 : i32
      %get3A_389 = arith.index_cast %add3A_388 : i32 to index
      %get3A_390 = tpu.vector_load %arg4[%get3A_389] {strides = array<i32>} : memref<12544xi32, #tpu.memory_space<vmem>>, vector<16xi32>,
      %add3A_391 = arith.constant 144 : i32
      %add3A_392 = vector.broadcast %add3A_391 : i32 to vector<16xi32>
      %add3A_393 = arith.addi %add3A_392, %iota3A : vector<16xi32>
      tpu.vector_store_idx %arg6[%get3A_390, %add3A_393], %broadcast_in_dim3A_5 : memref<96x224xf32, #tpu.memory_space<vmem>>[vector<16xi32>, vector<16xi32>], vector<16xf32>,
      %mul3A_394 = arith.constant 224 : i32
      %mul3A_395 = arith.muli %add3A_298, %mul3A_394 : i32
      %add3A_396 = arith.constant 160 : i32
      %add3A_397 = arith.addi %mul3A_395, %add3A_396 : i32
      %get3A_398 = arith.index_cast %add3A_397 : i32 to index
      %get3A_399 = tpu.vector_load %arg4[%get3A_398] {strides = array<i32>} : memref<12544xi32, #tpu.memory_space<vmem>>, vector<16xi32>,
      %add3A_400 = arith.constant 160 : i32
      %add3A_401 = vector.broadcast %add3A_400 : i32 to vector<16xi32>
      %add3A_402 = arith.addi %add3A_401, %iota3A : vector<16xi32>
      tpu.vector_store_idx %arg6[%get3A_399, %add3A_402], %broadcast_in_dim3A_5 : memref<96x224xf32, #tpu.memory_space<vmem>>[vector<16xi32>, vector<16xi32>], vector<16xf32>,
      %mul3A_403 = arith.constant 224 : i32
      %mul3A_404 = arith.muli %add3A_298, %mul3A_403 : i32
      %add3A_405 = arith.constant 176 : i32
      %add3A_406 = arith.addi %mul3A_404, %add3A_405 : i32
      %get3A_407 = arith.index_cast %add3A_406 : i32 to index
      %get3A_408 = tpu.vector_load %arg4[%get3A_407] {strides = array<i32>} : memref<12544xi32, #tpu.memory_space<vmem>>, vector<16xi32>,
      %add3A_409 = arith.constant 176 : i32
      %add3A_410 = vector.broadcast %add3A_409 : i32 to vector<16xi32>
      %add3A_411 = arith.addi %add3A_410, %iota3A : vector<16xi32>
      tpu.vector_store_idx %arg6[%get3A_408, %add3A_411], %broadcast_in_dim3A_5 : memref<96x224xf32, #tpu.memory_space<vmem>>[vector<16xi32>, vector<16xi32>], vector<16xf32>,
      %mul3A_412 = arith.constant 224 : i32
      %mul3A_413 = arith.muli %add3A_298, %mul3A_412 : i32
      %add3A_414 = arith.constant 192 : i32
      %add3A_415 = arith.addi %mul3A_413, %add3A_414 : i32
      %get3A_416 = arith.index_cast %add3A_415 : i32 to index
      %get3A_417 = tpu.vector_load %arg4[%get3A_416] {strides = array<i32>} : memref<12544xi32, #tpu.memory_space<vmem>>, vector<16xi32>,
      %add3A_418 = arith.constant 192 : i32
      %add3A_419 = vector.broadcast %add3A_418 : i32 to vector<16xi32>
      %add3A_420 = arith.addi %add3A_419, %iota3A : vector<16xi32>
      tpu.vector_store_idx %arg6[%get3A_417, %add3A_420], %broadcast_in_dim3A_5 : memref<96x224xf32, #tpu.memory_space<vmem>>[vector<16xi32>, vector<16xi32>], vector<16xf32>,
      %mul3A_421 = arith.constant 224 : i32
      %mul3A_422 = arith.muli %add3A_298, %mul3A_421 : i32
      %add3A_423 = arith.constant 208 : i32
      %add3A_424 = arith.addi %mul3A_422, %add3A_423 : i32
      %get3A_425 = arith.index_cast %add3A_424 : i32 to index
      %get3A_426 = tpu.vector_load %arg4[%get3A_425] {strides = array<i32>} : memref<12544xi32, #tpu.memory_space<vmem>>, vector<16xi32>,
      %add3A_427 = arith.constant 208 : i32
      %add3A_428 = vector.broadcast %add3A_427 : i32 to vector<16xi32>
      %add3A_429 = arith.addi %add3A_428, %iota3A : vector<16xi32>
      tpu.vector_store_idx %arg6[%get3A_426, %add3A_429], %broadcast_in_dim3A_5 : memref<96x224xf32, #tpu.memory_space<vmem>>[vector<16xi32>, vector<16xi32>], vector<16xf32>,
      %add3A_430 = arith.addi %mul3A_2, %add3A_298 : i32
      %jit3A_431 = arith.constant 224 : i32
      %div3A_432 = arith.divsi %add3A_430, %jit3A_431 : i32
      %sign3A_433 = arith.constant 0 : i32
      %sign3A_434 = arith.cmpi sgt, %add3A_430, %sign3A_433 : i32
      %sign3A_435 = arith.extui %sign3A_434 : i1 to i32
      %sign3A_436 = arith.constant 0 : i32
      %sign3A_437 = arith.cmpi slt, %add3A_430, %sign3A_436 : i32
      %sign3A_438 = arith.extui %sign3A_437 : i1 to i32
      %sign3A_439 = arith.subi %sign3A_435, %sign3A_438 : i32
      %sign3A_440 = arith.constant 0 : i32
      %sign3A_441 = arith.cmpi sgt, %jit3A_431, %sign3A_440 : i32
      %sign3A_442 = arith.extui %sign3A_441 : i1 to i32
      %sign3A_443 = arith.constant 0 : i32
      %sign3A_444 = arith.cmpi slt, %jit3A_431, %sign3A_443 : i32
      %sign3A_445 = arith.extui %sign3A_444 : i1 to i32
      %sign3A_446 = arith.subi %sign3A_442, %sign3A_445 : i32
      %ne3A_447 = arith.cmpi ne, %sign3A_439, %sign3A_446 : i32
      %rem3A_448 = arith.remsi %add3A_430, %jit3A_431 : i32
      %ne3A_449 = arith.constant 0 : i32
      %ne3A_450 = arith.cmpi ne, %rem3A_448, %ne3A_449 : i32
      %and3A_451 = arith.andi %ne3A_447, %ne3A_450 : i1
      %sub3A_452 = arith.constant 1 : i32
      %sub3A_453 = arith.subi %div3A_432, %sub3A_452 : i32
      %select_n3A_454 = arith.select %and3A_451, %sub3A_453, %div3A_432 : i32
      %jit3A_455 = arith.constant 224 : i32
      %eq3A_456 = arith.constant 0 : i32
      %eq3A_457 = arith.cmpi eq, %jit3A_455, %eq3A_456 : i32
      %jit3A_458 = arith.constant 1 : i32
      %select_n3A_459 = arith.select %eq3A_457, %jit3A_458, %jit3A_455 : i32
      %rem3A_460 = arith.remsi %add3A_430, %select_n3A_459 : i32
      %ne3A_461 = arith.constant 0 : i32
      %ne3A_462 = arith.cmpi ne, %rem3A_460, %ne3A_461 : i32
      %lt3A_463 = arith.constant 0 : i32
      %lt3A_464 = arith.cmpi slt, %rem3A_460, %lt3A_463 : i32
      %lt3A_465 = arith.constant 0 : i32
      %lt3A_466 = arith.cmpi slt, %select_n3A_459, %lt3A_465 : i32
      %ne3A_467 = arith.xori %lt3A_464, %lt3A_466 : i1
      %and3A_468 = arith.andi %ne3A_467, %ne3A_462 : i1
      %add3A_469 = arith.addi %rem3A_460, %select_n3A_459 : i32
      %select_n3A_470 = arith.select %and3A_468, %add3A_469, %rem3A_460 : i32
      %dma_start3A_471 = arith.constant 0 : i32
      %dma_start3A_472 = arith.constant 0 : i32
      %dma_start3A_473 = tpu.memref_slice %arg3[%select_n3A_454, %dma_start3A_471, %select_n3A_470, %dma_start3A_472] : memref<8x96x224x224xf32, #tpu.memory_space<hbm>> -> memref<1x96x1x224xf32, #tpu.memory_space<hbm>>
      %dma_start3A_474 = tpu.memref_squeeze %dma_start3A_473 : memref<1x96x1x224xf32, #tpu.memory_space<hbm>> -> memref<96x224xf32, #tpu.memory_space<hbm>>
      %dma_start3A_475 = arith.constant 0 : i32
      %dma_start3A_476 = arith.constant 0 : i32
      %dma_start3A_477 = tpu.memref_slice %arg3[%select_n3A_454, %dma_start3A_475, %select_n3A_470, %dma_start3A_476] : memref<8x96x224x224xf32, #tpu.memory_space<hbm>> -> memref<1x96x1x224xf32, #tpu.memory_space<hbm>>
      %dma_start3A_478 = tpu.memref_squeeze %dma_start3A_477 : memref<1x96x1x224xf32, #tpu.memory_space<hbm>> -> memref<96x224xf32, #tpu.memory_space<hbm>>
      tpu.enqueue_dma source(%arg6 : memref<96x224xf32, #tpu.memory_space<vmem>>) target(%dma_start3A_478 : memref<96x224xf32, #tpu.memory_space<hbm>>) target_semaphore(%arg9 : memref<!tpu.dma_semaphore, #tpu.memory_space<semaphore_mem>>)
      %scan3A_479 = arith.constant 0 : i32
      scf.yield %scan3A_479 : i32
    }
    %scan3A_22 = arith.constant 28 : i32
    %add3A_23 = arith.constant 54 : i32
    %add3A_24 = arith.addi %mul3A_2, %add3A_23 : i32
    %jit3A = arith.constant 224 : i32
    %div3A = arith.divsi %add3A_24, %jit3A : i32
    %sign3A = arith.constant 0 : i32
    %sign3A_25 = arith.cmpi sgt, %add3A_24, %sign3A : i32
    %sign3A_26 = arith.extui %sign3A_25 : i1 to i32
    %sign3A_27 = arith.constant 0 : i32
    %sign3A_28 = arith.cmpi slt, %add3A_24, %sign3A_27 : i32
    %sign3A_29 = arith.extui %sign3A_28 : i1 to i32
    %sign3A_30 = arith.subi %sign3A_26, %sign3A_29 : i32
    %sign3A_31 = arith.constant 0 : i32
    %sign3A_32 = arith.cmpi sgt, %jit3A, %sign3A_31 : i32
    %sign3A_33 = arith.extui %sign3A_32 : i1 to i32
    %sign3A_34 = arith.constant 0 : i32
    %sign3A_35 = arith.cmpi slt, %jit3A, %sign3A_34 : i32
    %sign3A_36 = arith.extui %sign3A_35 : i1 to i32
    %sign3A_37 = arith.subi %sign3A_33, %sign3A_36 : i32
    %ne3A = arith.cmpi ne, %sign3A_30, %sign3A_37 : i32
    %rem3A = arith.remsi %add3A_24, %jit3A : i32
    %ne3A_38 = arith.constant 0 : i32
    %ne3A_39 = arith.cmpi ne, %rem3A, %ne3A_38 : i32
    %and3A = arith.andi %ne3A, %ne3A_39 : i1
    %sub3A = arith.constant 1 : i32
    %sub3A_40 = arith.subi %div3A, %sub3A : i32
    %select_n3A = arith.select %and3A, %sub3A_40, %div3A : i32
    %jit3A_41 = arith.constant 224 : i32
    %eq3A = arith.constant 0 : i32
    %eq3A_42 = arith.cmpi eq, %jit3A_41, %eq3A : i32
    %jit3A_43 = arith.constant 1 : i32
    %select_n3A_44 = arith.select %eq3A_42, %jit3A_43, %jit3A_41 : i32
    %rem3A_45 = arith.remsi %add3A_24, %select_n3A_44 : i32
    %ne3A_46 = arith.constant 0 : i32
    %ne3A_47 = arith.cmpi ne, %rem3A_45, %ne3A_46 : i32
    %lt3A = arith.constant 0 : i32
    %lt3A_48 = arith.cmpi slt, %rem3A_45, %lt3A : i32
    %lt3A_49 = arith.constant 0 : i32
    %lt3A_50 = arith.cmpi slt, %select_n3A_44, %lt3A_49 : i32
    %ne3A_51 = arith.xori %lt3A_48, %lt3A_50 : i1
    %and3A_52 = arith.andi %ne3A_51, %ne3A_47 : i1
    %add3A_53 = arith.addi %rem3A_45, %select_n3A_44 : i32
    %select_n3A_54 = arith.select %and3A_52, %add3A_53, %rem3A_45 : i32
    %dma_wait3A_55 = arith.constant 0 : i32
    %dma_wait3A_56 = arith.constant 0 : i32
    %dma_wait3A_57 = tpu.memref_slice %arg3[%select_n3A, %dma_wait3A_55, %select_n3A_54, %dma_wait3A_56] : memref<8x96x224x224xf32, #tpu.memory_space<hbm>> -> memref<1x96x1x224xf32, #tpu.memory_space<hbm>>
    %dma_wait3A_58 = tpu.memref_squeeze %dma_wait3A_57 : memref<1x96x1x224xf32, #tpu.memory_space<hbm>> -> memref<96x224xf32, #tpu.memory_space<hbm>>
    %dma_wait3A_59 = arith.constant 0 : i32
    %dma_wait3A_60 = arith.constant 0 : i32
    %dma_wait3A_61 = tpu.memref_slice %arg3[%select_n3A, %dma_wait3A_59, %select_n3A_54, %dma_wait3A_60] : memref<8x96x224x224xf32, #tpu.memory_space<hbm>> -> memref<1x96x1x224xf32, #tpu.memory_space<hbm>>
    %dma_wait3A_62 = tpu.memref_squeeze %dma_wait3A_61 : memref<1x96x1x224xf32, #tpu.memory_space<hbm>> -> memref<96x224xf32, #tpu.memory_space<hbm>>
    tpu.wait_dma2 semaphore(%arg8 : memref<!tpu.dma_semaphore, #tpu.memory_space<semaphore_mem>>) src(%arg5 : memref<96x224xf32, #tpu.memory_space<vmem>>) dst(%dma_wait3A_62 : memref<96x224xf32, #tpu.memory_space<hbm>>)
    %add3A_63 = arith.constant 55 : i32
    %add3A_64 = arith.addi %mul3A_2, %add3A_63 : i32
    %jit3A_65 = arith.constant 224 : i32
    %div3A_66 = arith.divsi %add3A_64, %jit3A_65 : i32
    %sign3A_67 = arith.constant 0 : i32
    %sign3A_68 = arith.cmpi sgt, %add3A_64, %sign3A_67 : i32
    %sign3A_69 = arith.extui %sign3A_68 : i1 to i32
    %sign3A_70 = arith.constant 0 : i32
    %sign3A_71 = arith.cmpi slt, %add3A_64, %sign3A_70 : i32
    %sign3A_72 = arith.extui %sign3A_71 : i1 to i32
    %sign3A_73 = arith.subi %sign3A_69, %sign3A_72 : i32
    %sign3A_74 = arith.constant 0 : i32
    %sign3A_75 = arith.cmpi sgt, %jit3A_65, %sign3A_74 : i32
    %sign3A_76 = arith.extui %sign3A_75 : i1 to i32
    %sign3A_77 = arith.constant 0 : i32
    %sign3A_78 = arith.cmpi slt, %jit3A_65, %sign3A_77 : i32
    %sign3A_79 = arith.extui %sign3A_78 : i1 to i32
    %sign3A_80 = arith.subi %sign3A_76, %sign3A_79 : i32
    %ne3A_81 = arith.cmpi ne, %sign3A_73, %sign3A_80 : i32
    %rem3A_82 = arith.remsi %add3A_64, %jit3A_65 : i32
    %ne3A_83 = arith.constant 0 : i32
    %ne3A_84 = arith.cmpi ne, %rem3A_82, %ne3A_83 : i32
    %and3A_85 = arith.andi %ne3A_81, %ne3A_84 : i1
    %sub3A_86 = arith.constant 1 : i32
    %sub3A_87 = arith.subi %div3A_66, %sub3A_86 : i32
    %select_n3A_88 = arith.select %and3A_85, %sub3A_87, %div3A_66 : i32
    %jit3A_89 = arith.constant 224 : i32
    %eq3A_90 = arith.constant 0 : i32
    %eq3A_91 = arith.cmpi eq, %jit3A_89, %eq3A_90 : i32
    %jit3A_92 = arith.constant 1 : i32
    %select_n3A_93 = arith.select %eq3A_91, %jit3A_92, %jit3A_89 : i32
    %rem3A_94 = arith.remsi %add3A_64, %select_n3A_93 : i32
    %ne3A_95 = arith.constant 0 : i32
    %ne3A_96 = arith.cmpi ne, %rem3A_94, %ne3A_95 : i32
    %lt3A_97 = arith.constant 0 : i32
    %lt3A_98 = arith.cmpi slt, %rem3A_94, %lt3A_97 : i32
    %lt3A_99 = arith.constant 0 : i32
    %lt3A_100 = arith.cmpi slt, %select_n3A_93, %lt3A_99 : i32
    %ne3A_101 = arith.xori %lt3A_98, %lt3A_100 : i1
    %and3A_102 = arith.andi %ne3A_101, %ne3A_96 : i1
    %add3A_103 = arith.addi %rem3A_94, %select_n3A_93 : i32
    %select_n3A_104 = arith.select %and3A_102, %add3A_103, %rem3A_94 : i32
    %dma_wait3A_105 = arith.constant 0 : i32
    %dma_wait3A_106 = arith.constant 0 : i32
    %dma_wait3A_107 = tpu.memref_slice %arg3[%select_n3A_88, %dma_wait3A_105, %select_n3A_104, %dma_wait3A_106] : memref<8x96x224x224xf32, #tpu.memory_space<hbm>> -> memref<1x96x1x224xf32, #tpu.memory_space<hbm>>
    %dma_wait3A_108 = tpu.memref_squeeze %dma_wait3A_107 : memref<1x96x1x224xf32, #tpu.memory_space<hbm>> -> memref<96x224xf32, #tpu.memory_space<hbm>>
    %dma_wait3A_109 = arith.constant 0 : i32
    %dma_wait3A_110 = arith.constant 0 : i32
    %dma_wait3A_111 = tpu.memref_slice %arg3[%select_n3A_88, %dma_wait3A_109, %select_n3A_104, %dma_wait3A_110] : memref<8x96x224x224xf32, #tpu.memory_space<hbm>> -> memref<1x96x1x224xf32, #tpu.memory_space<hbm>>
    %dma_wait3A_112 = tpu.memref_squeeze %dma_wait3A_111 : memref<1x96x1x224xf32, #tpu.memory_space<hbm>> -> memref<96x224xf32, #tpu.memory_space<hbm>>
    tpu.wait_dma2 semaphore(%arg9 : memref<!tpu.dma_semaphore, #tpu.memory_space<semaphore_mem>>) src(%arg6 : memref<96x224xf32, #tpu.memory_space<vmem>>) dst(%dma_wait3A_112 : memref<96x224xf32, #tpu.memory_space<hbm>>)
    return
  }
}

</mosaic_0001>

<sc_bundles>
// kernel: kernel.3.cloned.1.call-start
scs
__scs_entry_jumppad:
0x0: {  	(pc) =	sbr.rel $0x88, $3  }
0x1: {  	(tag) =	ssettag $0x0;
	lr =	simm.s32 $0x1  }
0x2: {  	[smem:$0x3FA0] =	sst lr;
	_ =	strace $0xD0000000  }
0x3: {  	_ = 	snop  }
0x4: {  	_ = 	snop  }
0x5: {  	_ = 	snop  }
0x6: {  	_ = 	snop  }
0x7: {  	_ = 	snop  }
__scs_overlays_trampoline_lowered:
0x8: {  	[smem:$0x3FAF] =	sst s0  }
0x9: {  	[smem:$0x3FB0] =	sst s1  }
0xa: {  	[smem:$0x3FB1] =	sst s2  }
0xb: {  	[smem:$0x3FB2] =	sst s3  }
0xc: {  	[smem:$0x3FB3] =	sst s4  }
0xd: {  	[smem:$0x3FB4] =	sst s5  }
0xe: {  	[smem:$0x3FB5] =	sst s6  }
0xf: {  	[smem:$0x3FB6] =	sst s7  }
0x10: {  	[smem:$0x3FB7] =	sst s8  }
0x11: {  	[smem:$0x3FB8] =	sst s9;
	s0 =	simm.s32 @!p0 $0x0  }
0x12: {  	s1 =	sld [smem:$0x3F9E];
	s0 =	simm.s32 @p0 $0x1  }
0x13: {  	[smem:$0x3FB9] =	sst s0;
	s0 =	simm.s32 @!p1 $0x0  }
0x14: {  	s2 =	sld [smem:$0x3F9D];
	s0 =	simm.s32 @p1 $0x1  }
0x15: {  	[smem:$0x3FBA] =	sst s0;
	s0 =	simm.s32 @!p2 $0x0  }
0x16: {  	s3 =	sld [smem:$0x3FDB];
	s0 =	simm.s32 @p2 $0x1  }
0x17: {  	s4 =	simm.s32 $0x1BF5;
	[smem:$0x3FBC] =	sst s0  }
0x18: {  	s0 =	sld [smem:$0x3F9F];
	_ =	swait.ge [sflag:s4], $0x0  }
0x19: {  	s7 =	sld [smem:$0x3FA0]  }
0x1a: {  	s8 =	sadd.s32 $0xFFFFE003, lr  }
0x1b: {  	s9 =	sadd.s32 $0xFFFFFEF7, lr;
	s5 =	simm.s32 $0xFFFFFFFF;
	p2 =	slt.u32 s8, $0xFFFFF086  }
0x1c: {  	p1 =	slt.u32 s9, $0xF7A;
	s5 =	simm.s32 @!p2 $0x0  }
0x1d: {  	s5 =	simm.s32 @p1 $0x1;
	p0 =	seq.s32 s7, s2  }
0x1e: {  	s7 =	smul.u32 @!p0 $0xF7A, s2;
	p2 =	seq.s32 @!p0 s5, $0x0  }
0x1f: {  	s9 =	smul.u32 $0xF7A, s1;
	s8 =	simm.s32 @!p0 $0x1BF5;
	p2 =	por !p2, p0  }
0x20: {  	[sflag:s8] =	ssyncset.s32 @!p0 $0xFFFFF086;
	s6 =	sadd.s32 @!p0 s3, s7;
	s7 =	simm.s32 @!p0 $0x108  }
0x21: {  	s3 =	sadd.s32 s3, s9;
	s6 =	sadd.s32 @!p0 $0x88, s6;
	s7 =	simm.s32 @p2 $0x1082  }
0x22: {  	[simem:s7], [sflag:s8] =	dma.local @!p0 [hbm:s6], $0xF7A  }
0x23: {  	s9 =	sor.u32 $0xD0000000, s2;
	s6 =	simm.s32 $0x108;
	_ =	swait.ge @!p0 [sflag:s8], $0x0  }
0x24: {  	s3 =	sadd.s32 $0x88, s3;
	s6 =	simm.s32 @!p1 $0x1082;
	[sflag:s4] =	ssyncset.s32 $0xFFFFF086  }
0x25: {  	[simem:s6], [sflag:s4] =	dma.local [hbm:s3], $0xF7A  }
0x26: {  	[smem:$0x3FA0] =	sst s1;
	(tag) =	ssettag s2;
	_ =	strace s9  }
0x27: {  	s1 =	sld [smem:$0x3FB0]  }
0x28: {  	s2 =	sld [smem:$0x3FB1]  }
0x29: {  	s4 =	sld [smem:$0x3FB3]  }
0x2a: {  	p0 =	seq.s32 s5, $0x0;
	s5 =	sld [smem:$0x3FB4]  }
0x2b: {  	s6 =	sld [smem:$0x3FB5]  }
0x2c: {  	s7 =	sld [smem:$0x3FB6]  }
0x2d: {  	s3 =	simm.s32 $0x108;
	s8 =	sld [smem:$0x3FB7]  }
0x2e: {  	s3 =	simm.s32 @!p0 $0x1082;
	s9 =	sld [smem:$0x3FB8]  }
0x2f: {  	lr =	sadd.s32 s0, s3;
	s0 =	sld [smem:$0x3FAF]  }
0x30: {  	s3 =	sld [smem:$0x3FB2]  }
0x31: {  	[smem:$0x3FBB] =	sst s10  }
0x32: {  	s10 =	sld [smem:$0x3FB9];
	_ =	sdelay $0x3  }
0x33: {  	p0 =	seq.s32 s10, $0x1;
	s10 =	sld [smem:$0x3FBB];
	_ =	sdelay $0x3  }
0x34: {  	[smem:$0x3FBB] =	sst s10  }
0x35: {  	s10 =	sld [smem:$0x3FBA];
	_ =	sdelay $0x3  }
0x36: {  	p1 =	seq.s32 s10, $0x1;
	s10 =	sld [smem:$0x3FBB];
	_ =	sdelay $0x3  }
0x37: {  	[smem:$0x3FBB] =	sst s10  }
0x38: {  	s10 =	sld [smem:$0x3FBC]  }
0x39: {  	_ = 	snop;
	(pc) =	sbr.ind lr, $3  }
0x3a: {  	_ = 	snop  }
0x3b: {  	_ = 	snop  }
0x3c: {  	p2 =	seq.s32 s10, $0x1;
	s10 =	sld [smem:$0x3FBB]  }
0x3d: {  	_ =	shalt  }
0x3e: {  	_ =	shalt  }
0x3f: {  	_ =	shalt  }
0x40: {  	_ =	shalt  }
0x41: {  	_ =	shalt  }
0x42: {  	_ =	shalt  }
0x43: {  	_ =	shalt  }
0x44: {  	_ =	shalt  }
0x45: {  	_ =	shalt  }
0x46: {  	_ =	shalt  }
0x47: {  	_ =	shalt  }
0x48: {  	_ =	shalt  }
0x49: {  	_ =	shalt  }
0x4a: {  	_ =	shalt  }
0x4b: {  	_ =	shalt  }
0x4c: {  	_ =	shalt  }
0x4d: {  	_ =	shalt  }
0x4e: {  	_ =	shalt  }
0x4f: {  	_ =	shalt  }
0x50: {  	_ =	shalt  }
0x51: {  	_ =	shalt  }
0x52: {  	_ =	shalt  }
0x53: {  	_ =	shalt  }
0x54: {  	_ =	shalt  }
0x55: {  	_ =	shalt  }
0x56: {  	_ =	shalt  }
0x57: {  	_ =	shalt  }
0x58: {  	_ =	shalt  }
0x59: {  	_ =	shalt  }
0x5a: {  	_ =	shalt  }
0x5b: {  	_ =	shalt  }
0x5c: {  	_ =	shalt  }
0x5d: {  	_ =	shalt  }
0x5e: {  	_ =	shalt  }
0x5f: {  	_ =	shalt  }
0x60: {  	_ =	shalt  }
0x61: {  	_ =	shalt  }
0x62: {  	_ =	shalt  }
0x63: {  	_ =	shalt  }
0x64: {  	_ =	shalt  }
0x65: {  	_ =	shalt  }
0x66: {  	_ =	shalt  }
0x67: {  	_ =	shalt  }
0x68: {  	_ =	shalt  }
0x69: {  	_ =	shalt  }
0x6a: {  	_ =	shalt  }
0x6b: {  	_ =	shalt  }
0x6c: {  	_ =	shalt  }
0x6d: {  	_ =	shalt  }
0x6e: {  	_ =	shalt  }
0x6f: {  	_ =	shalt  }
0x70: {  	_ =	shalt  }
0x71: {  	_ =	shalt  }
0x72: {  	_ =	shalt  }
0x73: {  	_ =	shalt  }
0x74: {  	_ =	shalt  }
0x75: {  	_ =	shalt  }
0x76: {  	_ =	shalt  }
0x77: {  	_ =	shalt  }
0x78: {  	_ =	shalt  }
0x79: {  	_ =	shalt  }
0x7a: {  	_ =	shalt  }
0x7b: {  	_ =	shalt  }
0x7c: {  	_ =	shalt  }
0x7d: {  	_ =	shalt  }
0x7e: {  	_ =	shalt  }
0x7f: {  	_ =	shalt  }
0x80: {  	_ =	shalt  }
0x81: {  	_ =	shalt  }
0x82: {  	_ =	shalt  }
0x83: {  	_ =	shalt  }
0x84: {  	_ =	shalt  }
0x85: {  	_ =	shalt  }
0x86: {  	_ =	shalt  }
0x87: {  	_ =	shalt  }
.Lfunc_end0:
.L_simem_size_0:
called_computation_lowered:
.L_overlay_start_0:
0x88: {  	s2 =	sld [smem:$0x3FD9]  }
0x89: {  	s3 =	sld [smem:$0x3FFE];
	_ =	sdelay $0x1  }
0x8a: {  	s1 =	srdreg.scid  }
0x8b: {  	s0 =	sand.u32 $0x1, s1  }
0x8c: {  	s17 =	sshll.u32 s0, $0xA;
	s2 =	sadd.s32 s3, s2  }
0x8d: {  	s2 =	sadd.s32 s2, s17  }
0x8e: {  	[smem:$0x3FC7] =	sst s2  }
0x8f: {  	_ = 	snop  }
0x90: {  	s2 =	sld [smem:$0x3FD0];
	(tm) =	ssettm $0x1  }
0x91: {  	s18 =	sld [smem:$0x3FFB];
	_ =	sdelay $0x3  }
0x92: {  	_ =	strace s18  }
0x93: {  	s3 =	sld [smem:$0x3FFC];
	_ =	sdelay $0x3  }
0x94: {  	_ =	strace s3  }
0x95: {  	s3 =	sld [smem:$0x3FFD];
	_ =	sdelay $0x3  }
0x96: {  	_ =	strace s3  }
0x97: {  	_ =	strace $0x8FFFFFFF  }
0x98: {  	s19 =	sld [smem:$0x3FDB];
	_ =	sdelay $0x1  }
0x99: {  	s4 =	simm.s32 $_scs_section_size  }
0x9a: {  	s5 =	simm.s32 $_size__tile_overlayer_lowered;
	s6 =	simm.s32 $_tile_overlayer_lowered  }
0x9b: {  	s22 =	simm.s32 $0x1BFF;
	s21 =	sshll.u32 s6, $0x1;
	s3 =	sadd.s32 s4, s19  }
0x9c: {  	s7 =	simm.s32 $0x0;
	s20 =	sshll.u32 s5, $0x1;
	s5 =	sadd.s32 s21, s3  }
0x9d: {  	[timem:s7], [sflag:s22] =	dma.local [hbm:s5], s20  }
0x9e: {  	_ =	swait.ge [sflag:s22], s20  }
0x9f: {  	s4 =	ssub.s32 $0x0, s20;
	[sflag:s22] =	ssyncset.done $0x0  }
0xa0: {  	[sflag:s22] =	ssyncadd.s32 s4;
	_ =	sdelay $0x1  }
0xa1: {  	s23 =	simm.s32 $0x1B8B  }
0xa2: {  	_ =	swait.ge [sflag:s23], $0x1  }
0xa3: {  	[sflag:s23] =	ssyncset.done $0x0  }
0xa4: {  	s25 =	simm.s32 $0x1B8E;
	s24 =	sld [smem:$0x3FFE];
	[sflag:s23] =	ssyncadd.s32 $0xFFFFFFFF  }
0xa5: {  	s26 =	simm.s32 $execute0_lowered;
	[smem:$0x3FD2] =	sst s25  }
0xa6: {  	s5 =	sshll.u32 s26, $0x1;
	_ =	strace $0x80000046;
	[dreg:$0x1] =	wrdreg $0xFFFFFFFF  }
0xa7: {  	s28 =	simm.s32 $_size_execute0_lowered;
	s3 =	sadd.s32 s3, s5;
	[dreg:$0x0] =	wrdreg $0x0  }
0xa8: {  	s5 =	sshll.u32 s28, $0x1;
	[dreg:$0x2] =	wrdreg s3  }
0xa9: {  	[dreg:$0x3] =	wrdreg s5  }
0xaa: {  	[dreg:$0x4] =	wrdreg $0xC0  }
0xab: {  	_ =	task [dreg:s7], $0x5FFFF  }
0xac: {  	[dreg:$0x1] =	wrdreg $0xFFFFFFFF  }
0xad: {  	[dreg:$0x0] =	wrdreg $0x60  }
0xae: {  	[dreg:$0x2] =	wrdreg s2  }
0xaf: {  	[dreg:$0x3] =	wrdreg s24  }
0xb0: {  	[dreg:$0x4] =	wrdreg $0x9  }
0xb1: {  	_ =	task.clear_ibuf [dreg:s7], $0x5FFFF;
	_ =	strace $0x90000046  }
0xb2: {  	s29 =	simm.s32 $0x9;
	_ =	strace $0x80000048  }
0xb3: {  	_ =	swait.ge [sflag:s29], $0x1  }
0xb4: {  	[sflag:s29] =	ssyncadd.s32 $0xFFFFFFFF  }
0xb5: {  	_ =	strace $0x90000048  }
0xb6: {  	_ =	sfence  }
0xb7: {  	s30 =	sld [smem:$0x0];
	_ =	sdelay $0x2  }
0xb8: {  	s31 =	sshll.u32 s1, $0xD;
	s1 =	sshrl.u32 s1, $0x2  }
0xb9: {  	s3 =	sand.u32 $0x4000, s31;
	s1 =	sadd.s32 s1, s30  }
0xba: {  	s0 =	sor.u32 s3, s0;
	s1 =	sshll.u32 s1, $0x11  }
0xbb: {  	s0 =	sor.u32 s1, s0  }
0xbc: {  	s0 =	sadd.s32 $0x8F2B, s0  }
0xbd: {  	[sflag:s0] =	ssyncadd.remote.s32 $0x1  }
0xbe: {  	_ =	sfence.sel $0xFFFF  }
0xbf: {  	[dreg:$0x0] =	wrdreg $0xFFFFFFFF;
	(pc) =	sbr.abs _section_cstart, $3  }
0xc0: {  	[dreg:$0x1] =	wrdreg $0xFFFFFFFF  }
0xc1: {  	_ =	task.clear_ibuf [dreg:s7], $0x2FFFF;
	_ =	strace $0x9FFFFFFF  }
0xc2: {  	(tm) =	ssettm $0x7FFFFFFF  }
0xc3: {  	_ =	shalt  }
tec
execute0_lowered:
.L_overlay_start_1:
0x0: {  	(tag) =	ssettag $0x1  }
0x1: {  	s1 =	srdreg.scid;
	s5 =	rddreg [dreg:$0x0]  }
0x2: {  	s0 =	stileid.u32;
	s3 =	rddreg [dreg:$0x1]  }
0x3: {  	s2 =	simm.s32 $0x0;
	s13 =	simm.s32 $0xC400;
	s14 =	simm.s32 $0x8500  }
0x4: {  	s15 =	simm.s32 $0x2;
	s16 =	simm.s32 $0x3;
	s7 =	smul.u32 $0x70, s0  }
0x5: {  	s17 =	simm.s32 $0x0;
	s4 =	sand.u32 $0x1, s1;
	s10 =	smul.u32 $0x6200, s0  }
0x6: {  	s31 =	sshll.u32 s0, $0x1;
	[smem:$0x7FF] =	sst s2;
	s8 =	smul.u32 $0x38, s4  }
0x7: {  	v0 =	vlaneseq.u32;
	s1 =	sor.u32 s4, s31;
	s9 =	ssub.s32 $0x2, s4;
	s12 =	smul.u32 $0x3100, s4  }
0x8: {  	v1 =	vimm.f32 $0.0e+00;
	v2 =	vimm.f32 $1.000000000e+00;
	s3 =	sadd.s32 $0x400, s3;
	v3 =	vor.u32 $0x10, v0;
	s6 =	smul.u32 $0x620, s1;
	s11 =	sshrl.u32 s9, $0x1  }
0x9: {  	v4 =	vor.u32 $0x20, v0;
	v5 =	vor.u32 $0x30, v0;
	v6 =	vor.u32 $0x40, v0;
	s1 =	rddreg [dreg:$0x2];
	_ =	strace $0x80000047;
	s9 =	ssub.s32 s9, s11  }
0xa: {  	v7 =	vor.u32 $0x50, v0;
	v8 =	vor.u32 $0x60, v0;
	v9 =	vor.u32 $0x70, v0;
	s11 =	simm.s32 $0x3100;
	s4 =	sadd.s32 s5, s6;
	s5 =	sadd.s32 s8, s7  }
0xb: {  	v10 =	vor.u32 $0x80, v0;
	v11 =	vor.u32 $0x90, v0;
	v12 =	vor.u32 $0xA0, v0;
	s6 =	smax.u32 s9, $0x1;
	s7 =	sadd.s32 s12, s10;
	s8 =	sor.u32 $0x1, s5  }
0xc: {  	v13 =	vor.u32 $0xB0, v0;
	v14 =	vor.u32 $0xC0, v0;
	v15 =	vor.u32 $0xD0, v0;
	s10 =	simm.s32 $0x1;
	s12 =	simm.s32 $0xE0;
	s9 =	smul.u32 $0xE0, s8  }
.LBB2_1:
0xd: {  	[tilespmem:s2], [sflag:$0x1] =	stream.linear.gather [hbm4b:s4+s2], $0x3100, $0x38;
	[tilespmem:$0xD900] =	vst v63  }
0xe: {  	_ =	swait.ge [sflag:s10], $0x3100  }
0xf: {  	[sflag:s10] =	ssyncset.done $0x0  }
0x10: {  	s19 =	simm.s32 $0x0;
	s18 =	simm.s32 $0x380;
	[sflag:s10] =	ssyncadd.s32 $0xFFFFCF00  }
.LBB2_2:
0x11: {  	p0 =	sne.s32 s18, $0x14C80;
	[tilespmem:s19+$0x85D0] =	vst v1  }
0x12: {  	[tilespmem:s19+$0x3100] =	vst v1  }
0x13: {  	[tilespmem:s19+$0x3110] =	vst v1  }
0x14: {  	[tilespmem:s19+$0x3120] =	vst v1  }
0x15: {  	[tilespmem:s19+$0x3130] =	vst v1  }
0x16: {  	[tilespmem:s19+$0x3140] =	vst v1  }
0x17: {  	[tilespmem:s19+$0x3150] =	vst v1  }
0x18: {  	[tilespmem:s19+$0x3160] =	vst v1  }
0x19: {  	[tilespmem:s19+$0x3170] =	vst v1  }
0x1a: {  	[tilespmem:s19+$0x3180] =	vst v1  }
0x1b: {  	[tilespmem:s19+$0x3190] =	vst v1  }
0x1c: {  	[tilespmem:s19+$0x31A0] =	vst v1  }
0x1d: {  	[tilespmem:s19+$0x31B0] =	vst v1  }
0x1e: {  	[tilespmem:s19+$0x31C0] =	vst v1  }
0x1f: {  	[tilespmem:s19+$0x31D0] =	vst v1  }
0x20: {  	[tilespmem:s19+$0x8500] =	vst v1  }
0x21: {  	[tilespmem:s19+$0x8510] =	vst v1  }
0x22: {  	[tilespmem:s19+$0x8520] =	vst v1  }
0x23: {  	[tilespmem:s19+$0x8530] =	vst v1  }
0x24: {  	[tilespmem:s19+$0x8540] =	vst v1  }
0x25: {  	[tilespmem:s19+$0x8550] =	vst v1  }
0x26: {  	[tilespmem:s19+$0x8560] =	vst v1  }
0x27: {  	[tilespmem:s19+$0x8570] =	vst v1  }
.Ltmp0:
0x28: {  	[tilespmem:s19+$0x8580] =	vst v1;
	(pc) =	sbr.rel @p0 .LBB2_2-.Ltmp0, $4  }
0x29: {  	[tilespmem:s19+$0x8590] =	vst v1  }
0x2a: {  	[tilespmem:s19+$0x85A0] =	vst v1  }
0x2b: {  	[tilespmem:s19+$0x85B0] =	vst v1  }
0x2c: {  	[tilespmem:s19+$0x85C0] =	vst v1;
	s19 =	sshra.s32 s18, $0x2;
	s18 =	sadd.s32 $0x380, s18  }
0x2d: {  	[tilespmem:s19+$0x85D0] =	vst v1  }
0x2e: {  	[tilespmem:s19+$0x3100] =	vst v1  }
0x2f: {  	[tilespmem:s19+$0x3110] =	vst v1  }
0x30: {  	[tilespmem:s19+$0x3120] =	vst v1  }
0x31: {  	[tilespmem:s19+$0x3130] =	vst v1  }
0x32: {  	[tilespmem:s19+$0x3140] =	vst v1  }
0x33: {  	[tilespmem:s19+$0x3150] =	vst v1  }
0x34: {  	[tilespmem:s19+$0x3160] =	vst v1  }
0x35: {  	[tilespmem:s19+$0x3170] =	vst v1  }
0x36: {  	[tilespmem:s19+$0x3180] =	vst v1  }
0x37: {  	[tilespmem:s19+$0x3190] =	vst v1  }
0x38: {  	[tilespmem:s19+$0x31A0] =	vst v1  }
0x39: {  	[tilespmem:s19+$0x31B0] =	vst v1  }
0x3a: {  	[tilespmem:s19+$0x31C0] =	vst v1  }
0x3b: {  	[tilespmem:s19+$0x31D0] =	vst v1  }
0x3c: {  	[tilespmem:s19+$0x8500] =	vst v1  }
0x3d: {  	[tilespmem:s19+$0x8510] =	vst v1  }
0x3e: {  	[tilespmem:s19+$0x8520] =	vst v1  }
0x3f: {  	[tilespmem:s19+$0x8530] =	vst v1  }
0x40: {  	[tilespmem:s19+$0x8540] =	vst v1  }
0x41: {  	[tilespmem:s19+$0x8550] =	vst v1  }
0x42: {  	[tilespmem:s19+$0x8560] =	vst v1  }
0x43: {  	[tilespmem:s19+$0x8570] =	vst v1  }
0x44: {  	[tilespmem:s19+$0x8580] =	vst v1  }
0x45: {  	[tilespmem:s19+$0x8590] =	vst v1  }
0x46: {  	[tilespmem:s19+$0x85A0] =	vst v1  }
0x47: {  	[tilespmem:s19+$0x85B0] =	vst v1  }
0x48: {  	s18 =	simm.s32 $0x0;
	[tilespmem:s19+$0x85C0] =	vst v1;
	s19 =	smov.u32 s8  }
0x49: {  	s20 =	smov.u32 s9;
	s21 =	smov.u32 s7;
	s22 =	smov.u32 s5  }
.LBB2_4:
0x4a: {  	p0 =	seq.s32 s18, $0x0  }
0x4b: {  	_ =	swait.ge @!p0 [sflag:s15], $0x5400  }
0x4c: {  	s23 =	simm.s32 $0x0;
	[sflag:s15] =	ssyncset.done @!p0 $0x0  }
0x4d: {  	s23 =	sshra.s32 @!p0 s18, $0x2;
	[sflag:s15] =	ssyncadd.s32 @!p0 $0xFFFFAC00  }
0x4e: {  	v16 =	vld @!p0 [tilespmem:s23+$0xFFFFFE40];
	_ =	sdelay $0x4  }
0x4f: {  	v16 =	vmul.u32 @!p0 $0xE0, v16;
	_ =	sdelay $0x1  }
0x50: {  	v16 =	vor.u32 @!p0 v0, v16;
	_ =	sdelay $0x4  }
0x51: {  	[tilespmem:v16+s11+$0x0] =	vst.idx.msk @!p0 $0xffff, v1  }
0x52: {  	v16 =	vld @!p0 [tilespmem:s23+$0xFFFFFE50];
	_ =	sdelay $0x4  }
0x53: {  	v16 =	vmul.u32 @!p0 $0xE0, v16;
	_ =	sdelay $0x1  }
0x54: {  	v16 =	vor.u32 @!p0 v3, v16;
	_ =	sdelay $0x4  }
0x55: {  	[tilespmem:v16+s11+$0x0] =	vst.idx.msk @!p0 $0xffff, v1  }
0x56: {  	v16 =	vld @!p0 [tilespmem:s23+$0xFFFFFE60];
	_ =	sdelay $0x4  }
0x57: {  	v16 =	vmul.u32 @!p0 $0xE0, v16;
	_ =	sdelay $0x1  }
0x58: {  	v16 =	vadd.s32 @!p0 v4, v16;
	_ =	sdelay $0x4  }
0x59: {  	[tilespmem:v16+s11+$0x0] =	vst.idx.msk @!p0 $0xffff, v1  }
0x5a: {  	v16 =	vld @!p0 [tilespmem:s23+$0xFFFFFE70];
	_ =	sdelay $0x4  }
0x5b: {  	v16 =	vmul.u32 @!p0 $0xE0, v16;
	_ =	sdelay $0x1  }
0x5c: {  	v16 =	vadd.s32 @!p0 v5, v16;
	_ =	sdelay $0x4  }
0x5d: {  	[tilespmem:v16+s11+$0x0] =	vst.idx.msk @!p0 $0xffff, v1  }
0x5e: {  	v16 =	vld @!p0 [tilespmem:s23+$0xFFFFFE80];
	_ =	sdelay $0x4  }
0x5f: {  	v16 =	vmul.u32 @!p0 $0xE0, v16;
	_ =	sdelay $0x1  }
0x60: {  	v16 =	vadd.s32 @!p0 v6, v16;
	_ =	sdelay $0x4  }
0x61: {  	[tilespmem:v16+s11+$0x0] =	vst.idx.msk @!p0 $0xffff, v1  }
0x62: {  	v16 =	vld @!p0 [tilespmem:s23+$0xFFFFFE90];
	_ =	sdelay $0x4  }
0x63: {  	v16 =	vmul.u32 @!p0 $0xE0, v16;
	_ =	sdelay $0x1  }
0x64: {  	v16 =	vadd.s32 @!p0 v7, v16;
	_ =	sdelay $0x4  }
0x65: {  	[tilespmem:v16+s11+$0x0] =	vst.idx.msk @!p0 $0xffff, v1  }
0x66: {  	v16 =	vld @!p0 [tilespmem:s23+$0xFFFFFEA0];
	_ =	sdelay $0x4  }
0x67: {  	v16 =	vmul.u32 @!p0 $0xE0, v16;
	_ =	sdelay $0x1  }
0x68: {  	v16 =	vadd.s32 @!p0 v8, v16;
	_ =	sdelay $0x4  }
0x69: {  	[tilespmem:v16+s11+$0x0] =	vst.idx.msk @!p0 $0xffff, v1  }
0x6a: {  	v16 =	vld @!p0 [tilespmem:s23+$0xFFFFFEB0];
	_ =	sdelay $0x4  }
0x6b: {  	v16 =	vmul.u32 @!p0 $0xE0, v16;
	_ =	sdelay $0x1  }
0x6c: {  	v16 =	vadd.s32 @!p0 v9, v16;
	_ =	sdelay $0x4  }
0x6d: {  	[tilespmem:v16+s11+$0x0] =	vst.idx.msk @!p0 $0xffff, v1  }
0x6e: {  	v16 =	vld @!p0 [tilespmem:s23+$0xFFFFFEC0];
	_ =	sdelay $0x4  }
0x6f: {  	v16 =	vmul.u32 @!p0 $0xE0, v16;
	_ =	sdelay $0x1  }
0x70: {  	v16 =	vadd.s32 @!p0 v10, v16;
	_ =	sdelay $0x4  }
0x71: {  	[tilespmem:v16+s11+$0x0] =	vst.idx.msk @!p0 $0xffff, v1  }
0x72: {  	v16 =	vld @!p0 [tilespmem:s23+$0xFFFFFED0];
	_ =	sdelay $0x4  }
0x73: {  	v16 =	vmul.u32 @!p0 $0xE0, v16;
	_ =	sdelay $0x1  }
0x74: {  	v16 =	vadd.s32 @!p0 v11, v16;
	_ =	sdelay $0x4  }
0x75: {  	[tilespmem:v16+s11+$0x0] =	vst.idx.msk @!p0 $0xffff, v1  }
0x76: {  	v16 =	vld @!p0 [tilespmem:s23+$0xFFFFFEE0];
	_ =	sdelay $0x4  }
0x77: {  	v16 =	vmul.u32 @!p0 $0xE0, v16;
	_ =	sdelay $0x1  }
0x78: {  	v16 =	vadd.s32 @!p0 v12, v16;
	_ =	sdelay $0x4  }
0x79: {  	[tilespmem:v16+s11+$0x0] =	vst.idx.msk @!p0 $0xffff, v1  }
0x7a: {  	v16 =	vld @!p0 [tilespmem:s23+$0xFFFFFEF0];
	_ =	sdelay $0x4  }
0x7b: {  	v16 =	vmul.u32 @!p0 $0xE0, v16;
	_ =	sdelay $0x1  }
0x7c: {  	v16 =	vadd.s32 @!p0 v13, v16;
	_ =	sdelay $0x4  }
0x7d: {  	[tilespmem:v16+s11+$0x0] =	vst.idx.msk @!p0 $0xffff, v1  }
0x7e: {  	v16 =	vld @!p0 [tilespmem:s23+$0xFFFFFF00];
	_ =	sdelay $0x4  }
0x7f: {  	v16 =	vmul.u32 @!p0 $0xE0, v16;
	_ =	sdelay $0x1  }
0x80: {  	v16 =	vadd.s32 @!p0 v14, v16;
	_ =	sdelay $0x4  }
0x81: {  	[tilespmem:v16+s11+$0x0] =	vst.idx.msk @!p0 $0xffff, v1  }
0x82: {  	v16 =	vld @!p0 [tilespmem:s23+$0xFFFFFF10];
	_ =	sdelay $0x4  }
0x83: {  	v16 =	vmul.u32 @!p0 $0xE0, v16;
	_ =	sdelay $0x1  }
0x84: {  	v16 =	vadd.s32 @!p0 v15, v16;
	_ =	sdelay $0x3  }
0x85: {  	s23 =	smov.u32 @!p0 s18  }
0x86: {  	s23 =	sshra.s32 s23, $0x2;
	[tilespmem:v16+s11+$0x0] =	vst.idx.msk @!p0 $0xffff, v1  }
0x87: {  	v16 =	vld [tilespmem:s23+$0x0];
	_ =	sdelay $0x4  }
0x88: {  	v16 =	vmul.u32 $0xE0, v16;
	_ =	sdelay $0x1  }
0x89: {  	v16 =	vor.u32 v0, v16;
	_ =	sdelay $0x4  }
0x8a: {  	[tilespmem:v16+s11+$0x0] =	vst.idx.msk $0xffff, v2  }
0x8b: {  	v16 =	vld [tilespmem:s23+$0x10];
	_ =	sdelay $0x4  }
0x8c: {  	v16 =	vmul.u32 $0xE0, v16;
	_ =	sdelay $0x1  }
0x8d: {  	v16 =	vor.u32 v3, v16;
	_ =	sdelay $0x4  }
0x8e: {  	[tilespmem:v16+s11+$0x0] =	vst.idx.msk $0xffff, v2  }
0x8f: {  	v16 =	vld [tilespmem:s23+$0x20];
	_ =	sdelay $0x4  }
0x90: {  	v16 =	vmul.u32 $0xE0, v16;
	_ =	sdelay $0x1  }
0x91: {  	v16 =	vadd.s32 v4, v16;
	_ =	sdelay $0x4  }
0x92: {  	[tilespmem:v16+s11+$0x0] =	vst.idx.msk $0xffff, v2  }
0x93: {  	v16 =	vld [tilespmem:s23+$0x30];
	_ =	sdelay $0x4  }
0x94: {  	v16 =	vmul.u32 $0xE0, v16;
	_ =	sdelay $0x1  }
0x95: {  	v16 =	vadd.s32 v5, v16;
	_ =	sdelay $0x4  }
0x96: {  	[tilespmem:v16+s11+$0x0] =	vst.idx.msk $0xffff, v2  }
0x97: {  	v16 =	vld [tilespmem:s23+$0x40];
	_ =	sdelay $0x4  }
0x98: {  	v16 =	vmul.u32 $0xE0, v16;
	_ =	sdelay $0x1  }
0x99: {  	v16 =	vadd.s32 v6, v16;
	_ =	sdelay $0x4  }
0x9a: {  	[tilespmem:v16+s11+$0x0] =	vst.idx.msk $0xffff, v2  }
0x9b: {  	v16 =	vld [tilespmem:s23+$0x50];
	_ =	sdelay $0x4  }
0x9c: {  	v16 =	vmul.u32 $0xE0, v16;
	_ =	sdelay $0x1  }
0x9d: {  	v16 =	vadd.s32 v7, v16;
	_ =	sdelay $0x4  }
0x9e: {  	[tilespmem:v16+s11+$0x0] =	vst.idx.msk $0xffff, v2  }
0x9f: {  	v16 =	vld [tilespmem:s23+$0x60];
	_ =	sdelay $0x4  }
0xa0: {  	v16 =	vmul.u32 $0xE0, v16;
	_ =	sdelay $0x1  }
0xa1: {  	v16 =	vadd.s32 v8, v16;
	_ =	sdelay $0x4  }
0xa2: {  	[tilespmem:v16+s11+$0x0] =	vst.idx.msk $0xffff, v2  }
0xa3: {  	v16 =	vld [tilespmem:s23+$0x70];
	_ =	sdelay $0x4  }
0xa4: {  	v16 =	vmul.u32 $0xE0, v16;
	_ =	sdelay $0x1  }
0xa5: {  	v16 =	vadd.s32 v9, v16;
	_ =	sdelay $0x4  }
0xa6: {  	[tilespmem:v16+s11+$0x0] =	vst.idx.msk $0xffff, v2  }
0xa7: {  	v16 =	vld [tilespmem:s23+$0x80];
	_ =	sdelay $0x4  }
0xa8: {  	v16 =	vmul.u32 $0xE0, v16;
	_ =	sdelay $0x1  }
0xa9: {  	v16 =	vadd.s32 v10, v16;
	_ =	sdelay $0x4  }
0xaa: {  	[tilespmem:v16+s11+$0x0] =	vst.idx.msk $0xffff, v2  }
0xab: {  	v16 =	vld [tilespmem:s23+$0x90];
	_ =	sdelay $0x4  }
0xac: {  	v16 =	vmul.u32 $0xE0, v16;
	_ =	sdelay $0x1  }
0xad: {  	v16 =	vadd.s32 v11, v16;
	_ =	sdelay $0x4  }
0xae: {  	[tilespmem:v16+s11+$0x0] =	vst.idx.msk $0xffff, v2  }
0xaf: {  	v16 =	vld [tilespmem:s23+$0xA0];
	_ =	sdelay $0x4  }
0xb0: {  	v16 =	vmul.u32 $0xE0, v16;
	_ =	sdelay $0x1  }
0xb1: {  	v16 =	vadd.s32 v12, v16;
	_ =	sdelay $0x4  }
0xb2: {  	[tilespmem:v16+s11+$0x0] =	vst.idx.msk $0xffff, v2  }
0xb3: {  	v16 =	vld [tilespmem:s23+$0xB0];
	_ =	sdelay $0x4  }
0xb4: {  	v16 =	vmul.u32 $0xE0, v16;
	_ =	sdelay $0x1  }
0xb5: {  	v16 =	vadd.s32 v13, v16;
	_ =	sdelay $0x4  }
0xb6: {  	[tilespmem:v16+s11+$0x0] =	vst.idx.msk $0xffff, v2  }
0xb7: {  	v16 =	vld [tilespmem:s23+$0xC0];
	_ =	sdelay $0x4  }
0xb8: {  	v16 =	vmul.u32 $0xE0, v16;
	_ =	sdelay $0x1  }
0xb9: {  	v16 =	vadd.s32 v14, v16;
	_ =	sdelay $0x4  }
0xba: {  	[tilespmem:v16+s11+$0x0] =	vst.idx.msk $0xffff, v2  }
0xbb: {  	v16 =	vld [tilespmem:s23+$0xD0];
	_ =	sdelay $0x4  }
0xbc: {  	s24 =	sshrl.u32 s22, $0x5;
	v16 =	vmul.u32 $0xE0, v16  }
0xbd: {  	s24 =	smulhi.u32 $0x24924925, s24  }
0xbe: {  	v16 =	vadd.s32 v15, v16  }
0xbf: {  	s24 =	smul.u32 $0x48BC00, s24;
	_ =	sdelay $0x1  }
0xc0: {  	s24 =	sadd.s32 s24, s21  }
0xc1: {  	s24 =	sshrl.u32 s24, $0x3  }
0xc2: {  	s24 =	sadd.s32 s3, s24;
	[tilespmem:v16+s11+$0x0] =	vst.idx.msk $0xffff, v2  }
0xc3: {  	[hbm4b:s24+s12] =	stream.strided.scatter [tilespmem:s11], [sflag:$0x2], $0x5400, s13, s12, $0x38;
	[tilespmem:$0xD900] =	vst v63  }
0xc4: {  	_ =	swait.ge @!p0 [sflag:s16], $0x5400  }
0xc5: {  	[sflag:s16] =	ssyncset.done @!p0 $0x0  }
0xc6: {  	[sflag:s16] =	ssyncadd.s32 @!p0 $0xFFFFAC00  }
0xc7: {  	v16 =	vld @!p0 [tilespmem:s23+$0xFFFFFF20];
	_ =	sdelay $0x4  }
0xc8: {  	v16 =	vmul.u32 @!p0 $0xE0, v16;
	_ =	sdelay $0x1  }
0xc9: {  	v16 =	vor.u32 @!p0 v0, v16;
	_ =	sdelay $0x4  }
0xca: {  	[tilespmem:v16+s14+$0x0] =	vst.idx.msk @!p0 $0xffff, v1  }
0xcb: {  	v16 =	vld @!p0 [tilespmem:s23+$0xFFFFFF30];
	_ =	sdelay $0x4  }
0xcc: {  	v16 =	vmul.u32 @!p0 $0xE0, v16;
	_ =	sdelay $0x1  }
0xcd: {  	v16 =	vor.u32 @!p0 v3, v16;
	_ =	sdelay $0x4  }
0xce: {  	[tilespmem:v16+s14+$0x0] =	vst.idx.msk @!p0 $0xffff, v1  }
0xcf: {  	v16 =	vld @!p0 [tilespmem:s23+$0xFFFFFF40];
	_ =	sdelay $0x4  }
0xd0: {  	v16 =	vmul.u32 @!p0 $0xE0, v16;
	_ =	sdelay $0x1  }
0xd1: {  	v16 =	vadd.s32 @!p0 v4, v16;
	_ =	sdelay $0x4  }
0xd2: {  	[tilespmem:v16+s14+$0x0] =	vst.idx.msk @!p0 $0xffff, v1  }
0xd3: {  	v16 =	vld @!p0 [tilespmem:s23+$0xFFFFFF50];
	_ =	sdelay $0x4  }
0xd4: {  	v16 =	vmul.u32 @!p0 $0xE0, v16;
	_ =	sdelay $0x1  }
0xd5: {  	v16 =	vadd.s32 @!p0 v5, v16;
	_ =	sdelay $0x4  }
0xd6: {  	[tilespmem:v16+s14+$0x0] =	vst.idx.msk @!p0 $0xffff, v1  }
0xd7: {  	v16 =	vld @!p0 [tilespmem:s23+$0xFFFFFF60];
	_ =	sdelay $0x4  }
0xd8: {  	v16 =	vmul.u32 @!p0 $0xE0, v16;
	_ =	sdelay $0x1  }
0xd9: {  	v16 =	vadd.s32 @!p0 v6, v16;
	_ =	sdelay $0x4  }
0xda: {  	[tilespmem:v16+s14+$0x0] =	vst.idx.msk @!p0 $0xffff, v1  }
0xdb: {  	v16 =	vld @!p0 [tilespmem:s23+$0xFFFFFF70];
	_ =	sdelay $0x4  }
0xdc: {  	v16 =	vmul.u32 @!p0 $0xE0, v16;
	_ =	sdelay $0x1  }
0xdd: {  	v16 =	vadd.s32 @!p0 v7, v16;
	_ =	sdelay $0x4  }
0xde: {  	[tilespmem:v16+s14+$0x0] =	vst.idx.msk @!p0 $0xffff, v1  }
0xdf: {  	v16 =	vld @!p0 [tilespmem:s23+$0xFFFFFF80];
	_ =	sdelay $0x4  }
0xe0: {  	v16 =	vmul.u32 @!p0 $0xE0, v16;
	_ =	sdelay $0x1  }
0xe1: {  	v16 =	vadd.s32 @!p0 v8, v16;
	_ =	sdelay $0x4  }
0xe2: {  	[tilespmem:v16+s14+$0x0] =	vst.idx.msk @!p0 $0xffff, v1  }
0xe3: {  	v16 =	vld @!p0 [tilespmem:s23+$0xFFFFFF90];
	_ =	sdelay $0x4  }
0xe4: {  	v16 =	vmul.u32 @!p0 $0xE0, v16;
	_ =	sdelay $0x1  }
0xe5: {  	v16 =	vadd.s32 @!p0 v9, v16;
	_ =	sdelay $0x4  }
0xe6: {  	[tilespmem:v16+s14+$0x0] =	vst.idx.msk @!p0 $0xffff, v1  }
0xe7: {  	v16 =	vld @!p0 [tilespmem:s23+$0xFFFFFFA0];
	_ =	sdelay $0x4  }
0xe8: {  	v16 =	vmul.u32 @!p0 $0xE0, v16;
	_ =	sdelay $0x1  }
0xe9: {  	v16 =	vadd.s32 @!p0 v10, v16;
	_ =	sdelay $0x4  }
0xea: {  	[tilespmem:v16+s14+$0x0] =	vst.idx.msk @!p0 $0xffff, v1  }
0xeb: {  	v16 =	vld @!p0 [tilespmem:s23+$0xFFFFFFB0];
	_ =	sdelay $0x4  }
0xec: {  	v16 =	vmul.u32 @!p0 $0xE0, v16;
	_ =	sdelay $0x1  }
0xed: {  	v16 =	vadd.s32 @!p0 v11, v16;
	_ =	sdelay $0x4  }
0xee: {  	[tilespmem:v16+s14+$0x0] =	vst.idx.msk @!p0 $0xffff, v1  }
0xef: {  	v16 =	vld @!p0 [tilespmem:s23+$0xFFFFFFC0];
	_ =	sdelay $0x4  }
0xf0: {  	v16 =	vmul.u32 @!p0 $0xE0, v16;
	_ =	sdelay $0x1  }
0xf1: {  	v16 =	vadd.s32 @!p0 v12, v16;
	_ =	sdelay $0x4  }
0xf2: {  	[tilespmem:v16+s14+$0x0] =	vst.idx.msk @!p0 $0xffff, v1  }
0xf3: {  	v16 =	vld @!p0 [tilespmem:s23+$0xFFFFFFD0];
	_ =	sdelay $0x4  }
0xf4: {  	v16 =	vmul.u32 @!p0 $0xE0, v16;
	_ =	sdelay $0x1  }
0xf5: {  	v16 =	vadd.s32 @!p0 v13, v16;
	_ =	sdelay $0x4  }
0xf6: {  	[tilespmem:v16+s14+$0x0] =	vst.idx.msk @!p0 $0xffff, v1  }
0xf7: {  	v16 =	vld @!p0 [tilespmem:s23+$0xFFFFFFE0];
	_ =	sdelay $0x4  }
0xf8: {  	v16 =	vmul.u32 @!p0 $0xE0, v16;
	_ =	sdelay $0x1  }
0xf9: {  	v16 =	vadd.s32 @!p0 v14, v16;
	_ =	sdelay $0x4  }
0xfa: {  	[tilespmem:v16+s14+$0x0] =	vst.idx.msk @!p0 $0xffff, v1  }
0xfb: {  	v16 =	vld @!p0 [tilespmem:s23+$0xFFFFFFF0];
	_ =	sdelay $0x4  }
0xfc: {  	v16 =	vmul.u32 @!p0 $0xE0, v16;
	_ =	sdelay $0x1  }
0xfd: {  	v16 =	vadd.s32 @!p0 v15, v16;
	_ =	sdelay $0x4  }
0xfe: {  	s30 =	sshra.s32 s18, $0x2;
	[tilespmem:v16+s14+$0x0] =	vst.idx.msk @!p0 $0xffff, v1  }
0xff: {  	v16 =	vld [tilespmem:s30+$0xE0];
	_ =	sdelay $0x4  }
0x100: {  	v16 =	vmul.u32 $0xE0, v16;
	_ =	sdelay $0x1  }
0x101: {  	v16 =	vor.u32 v0, v16;
	_ =	sdelay $0x4  }
0x102: {  	[tilespmem:v16+s14+$0x0] =	vst.idx.msk $0xffff, v2  }
0x103: {  	v16 =	vld [tilespmem:s30+$0xF0];
	_ =	sdelay $0x4  }
0x104: {  	v16 =	vmul.u32 $0xE0, v16;
	_ =	sdelay $0x1  }
0x105: {  	v16 =	vor.u32 v3, v16;
	_ =	sdelay $0x4  }
0x106: {  	[tilespmem:v16+s14+$0x0] =	vst.idx.msk $0xffff, v2  }
0x107: {  	v16 =	vld [tilespmem:s30+$0x100];
	_ =	sdelay $0x4  }
0x108: {  	v16 =	vmul.u32 $0xE0, v16;
	_ =	sdelay $0x1  }
0x109: {  	v16 =	vadd.s32 v4, v16;
	_ =	sdelay $0x4  }
0x10a: {  	[tilespmem:v16+s14+$0x0] =	vst.idx.msk $0xffff, v2  }
0x10b: {  	v16 =	vld [tilespmem:s30+$0x110];
	_ =	sdelay $0x4  }
0x10c: {  	v16 =	vmul.u32 $0xE0, v16;
	_ =	sdelay $0x1  }
0x10d: {  	v16 =	vadd.s32 v5, v16;
	_ =	sdelay $0x4  }
0x10e: {  	[tilespmem:v16+s14+$0x0] =	vst.idx.msk $0xffff, v2  }
0x10f: {  	v16 =	vld [tilespmem:s30+$0x120];
	_ =	sdelay $0x4  }
0x110: {  	v16 =	vmul.u32 $0xE0, v16;
	_ =	sdelay $0x1  }
0x111: {  	v16 =	vadd.s32 v6, v16;
	_ =	sdelay $0x4  }
0x112: {  	[tilespmem:v16+s14+$0x0] =	vst.idx.msk $0xffff, v2  }
0x113: {  	v16 =	vld [tilespmem:s30+$0x130];
	_ =	sdelay $0x4  }
0x114: {  	v16 =	vmul.u32 $0xE0, v16;
	_ =	sdelay $0x1  }
0x115: {  	v16 =	vadd.s32 v7, v16;
	_ =	sdelay $0x4  }
0x116: {  	[tilespmem:v16+s14+$0x0] =	vst.idx.msk $0xffff, v2  }
0x117: {  	v16 =	vld [tilespmem:s30+$0x140];
	_ =	sdelay $0x4  }
0x118: {  	v16 =	vmul.u32 $0xE0, v16;
	_ =	sdelay $0x1  }
0x119: {  	v16 =	vadd.s32 v8, v16;
	_ =	sdelay $0x4  }
0x11a: {  	[tilespmem:v16+s14+$0x0] =	vst.idx.msk $0xffff, v2  }
0x11b: {  	v16 =	vld [tilespmem:s30+$0x150];
	_ =	sdelay $0x4  }
0x11c: {  	v16 =	vmul.u32 $0xE0, v16;
	_ =	sdelay $0x1  }
0x11d: {  	v16 =	vadd.s32 v9, v16;
	_ =	sdelay $0x4  }
0x11e: {  	[tilespmem:v16+s14+$0x0] =	vst.idx.msk $0xffff, v2  }
0x11f: {  	v16 =	vld [tilespmem:s30+$0x160];
	_ =	sdelay $0x4  }
0x120: {  	v16 =	vmul.u32 $0xE0, v16;
	_ =	sdelay $0x1  }
0x121: {  	v16 =	vadd.s32 v10, v16;
	_ =	sdelay $0x4  }
0x122: {  	[tilespmem:v16+s14+$0x0] =	vst.idx.msk $0xffff, v2  }
0x123: {  	v16 =	vld [tilespmem:s30+$0x170];
	_ =	sdelay $0x4  }
0x124: {  	v16 =	vmul.u32 $0xE0, v16;
	_ =	sdelay $0x1  }
0x125: {  	v16 =	vadd.s32 v11, v16;
	_ =	sdelay $0x4  }
0x126: {  	[tilespmem:v16+s14+$0x0] =	vst.idx.msk $0xffff, v2  }
0x127: {  	v16 =	vld [tilespmem:s30+$0x180];
	_ =	sdelay $0x4  }
0x128: {  	v16 =	vmul.u32 $0xE0, v16;
	_ =	sdelay $0x1  }
0x129: {  	v16 =	vadd.s32 v12, v16;
	_ =	sdelay $0x4  }
0x12a: {  	[tilespmem:v16+s14+$0x0] =	vst.idx.msk $0xffff, v2  }
0x12b: {  	v16 =	vld [tilespmem:s30+$0x190];
	_ =	sdelay $0x4  }
0x12c: {  	v16 =	vmul.u32 $0xE0, v16;
	_ =	sdelay $0x1  }
0x12d: {  	v16 =	vadd.s32 v13, v16;
	_ =	sdelay $0x4  }
0x12e: {  	[tilespmem:v16+s14+$0x0] =	vst.idx.msk $0xffff, v2  }
0x12f: {  	v16 =	vld [tilespmem:s30+$0x1A0];
	_ =	sdelay $0x4  }
0x130: {  	v16 =	vmul.u32 $0xE0, v16;
	_ =	sdelay $0x1  }
0x131: {  	v16 =	vadd.s32 v14, v16;
	_ =	sdelay $0x4  }
0x132: {  	[tilespmem:v16+s14+$0x0] =	vst.idx.msk $0xffff, v2  }
0x133: {  	v16 =	vld [tilespmem:s30+$0x1B0];
	_ =	sdelay $0x4  }
0x134: {  	s31 =	sshrl.u32 s19, $0x5;
	v16 =	vmul.u32 $0xE0, v16  }
0x135: {  	s23 =	smulhi.u32 $0x24924925, s31  }
0x136: {  	s18 =	sadd.s32 $0x700, s18;
	v16 =	vadd.s32 v15, v16  }
0x137: {  	s23 =	smul.u32 $0x48BC00, s23;
	p0 =	sne.s32 s18, $0xC400  }
.Ltmp1:
0x138: {  	_ = 	snop;
	(pc) =	sbr.rel @p0 .LBB2_4-.Ltmp1, $4  }
0x139: {  	s23 =	sadd.s32 s23, s20  }
0x13a: {  	s22 =	sadd.s32 $0x2, s22;
	s19 =	sadd.s32 $0x2, s19;
	s23 =	sshrl.u32 s23, $0x3  }
0x13b: {  	s21 =	sadd.s32 $0x1C0, s21;
	s20 =	sadd.s32 $0x1C0, s20;
	s23 =	sadd.s32 s3, s23;
	[tilespmem:v16+s14+$0x0] =	vst.idx.msk $0xffff, v2  }
0x13c: {  	[hbm4b:s23+s12] =	stream.strided.scatter [tilespmem:s14], [sflag:$0x3], $0x5400, s13, s12, $0x38;
	[tilespmem:$0xD900] =	vst v63  }
0x13d: {  	s17 =	sadd.s32 $0x1, s17  }
0x13e: {  	_ =	swait.ge [sflag:s15], $0x5400;
	p0 =	sne.s32 s17, s6  }
.Ltmp2:
0x13f: {  	[sflag:s15] =	ssyncset.done $0x0;
	(pc) =	sbr.rel @p0 .LBB2_1-.Ltmp2, $4  }
0x140: {  	[sflag:s15] =	ssyncadd.s32 $0xFFFFAC00  }
0x141: {  	_ =	swait.ge [sflag:s16], $0x5400  }
0x142: {  	[sflag:s16] =	ssyncset.done $0x0  }
0x143: {  	[sflag:s16] =	ssyncadd.s32 $0xFFFFAC00  }
0x144: {  	_ =	sfence.sel $0x180000  }
0x145: {  	[bflag:$0x0] =	sbarrier.arrive $0xFFFF  }
0x146: {  	p0 =	sne.s32 s0, $0x0;
	_ =	strace $0x90000047  }
0x147: {  	s0 =	sadd.s32 @!p0 $0x100000, s1;
	[bflag:$0x2] =	sbarrier.arrive $0xFFFF  }
0x148: {  	[sflag:s0] =	ssyncadd.tile.s32 @!p0 $0x1;
	_ =	shalt  }
.Lfunc_end2:
_tile_overlayer_lowered:
.L_overlay_start_2:
0x149: {  	(tag) =	ssettag $0x2  }
0x14a: {  	s0 =	rddreg [dreg:$0x0];
	s2 =	stileid.u32  }
0x14b: {  	s1 =	rddreg [dreg:$0x1];
	p0 =	sne.s32 s2, $0x0  }
0x14c: {  	s3 =	rddreg [dreg:$0x2];
	[bflag:$0x3] =	sbarrier.arrive $0xFFFF;
	s2 =	simm.s32 @!p0 $0x1C04  }
0x14d: {  	[timem:s3], [sflag:s2] =	dma.local @!p0 [hbm:s0], s1  }
0x14e: {  	s0 =	simm.s32 @!p0 $0x4  }
0x14f: {  	_ =	swait.ge @!p0 [sflag:s0], s1  }
0x150: {  	s1 =	ssub.s32 @!p0 $0x0, s1;
	[sflag:s0] =	ssyncset.done @!p0 $0x0  }
0x151: {  	[sflag:s0] =	ssyncadd.s32 @!p0 s1  }
0x152: {  	[bflag:$0x3] =	sbarrier.arrive $0xFFFF  }
0x153: {  	_ =	shalt  }

</sc_bundles>
